<compile_context>
chip_gen: v7x
topology: tpu7x:2x2x1
jax: 0.10.2.dev20260603
libtpu: 0.0.44.dev20260713+nightly
codegen_flags: <defaults>
</compile_context>

<pallas_src>
import functools

import jax
import jax.numpy as jnp
from jax import lax
from jax.experimental import pallas as pl
from jax.experimental.pallas import tpu as pltpu
from jax.experimental.pallas import tpu_sc as plsc

F_COUNT = 26
VOCAB = 100000
D = 32
BATCH = 4096
SEQ = 20

NC, NS = 2, 16
NW = NC * NS
N_PAIRS = F_COUNT * D
PAIRS_PER_W = N_PAIRS // NW
LANES = 16
B_ITERS = BATCH // LANES
ROUNDS = PAIRS_PER_W * SEQ
IRING = 5
ORING = 2
IDEPTH = IRING - 1


def _sc_tokenize(ids_t, tab_t, bias_flat):
    mesh = plsc.VectorSubcoreMesh(core_axis_name="c", subcore_axis_name="s")

    @functools.partial(
        pl.kernel,
        mesh=mesh,
        out_type=jax.ShapeDtypeStruct((SEQ, F_COUNT, D, BATCH), jnp.float32),
        scratch_types=[
            pltpu.VMEM((VOCAB,), jnp.float32),
            pltpu.VMEM((IRING * BATCH,), jnp.int32),
            pltpu.VMEM((ORING * BATCH,), jnp.float32),
            pltpu.VMEM((PAIRS_PER_W * LANES,), jnp.float32),
            pltpu.SemaphoreType.DMA,
            pltpu.SemaphoreType.DMA,
            pltpu.SemaphoreType.DMA,
        ],
        compiler_params=pltpu.CompilerParams(
            use_tc_tiling_on_sc=True, needs_layout_passes=False),
    )
    def k(ids_hbm, tab_hbm, bias_hbm, out_hbm,
          row_v, ids_v, out_v, bias_v, rsem, isem, osem):
        wid = lax.axis_index("s") * NC + lax.axis_index("c")
        p0 = wid * PAIRS_PER_W
        pltpu.sync_copy(
            bias_hbm.at[pl.ds(p0 * LANES, PAIRS_PER_W * LANES)], bias_v)

        def row_load(ff, dd):
            pltpu.async_copy(tab_hbm.at[ff, dd, :], row_v, rsem)

        def row_wait(ff, dd):
            pltpu.make_async_copy(tab_hbm.at[ff, dd, :], row_v, rsem).wait()

        f0 = p0 // D
        d0 = lax.rem(p0, D)
        row_load(f0, d0)
        for j in range(IDEPTH):
            pltpu.async_copy(
                ids_hbm.at[f0, j, :], ids_v.at[pl.ds(j * BATCH, BATCH)], isem)

        @pl.loop(0, ROUNDS)
        def round_(q):
            u = q // SEQ
            l = q - u * SEQ
            p = p0 + u
            f = p // D
            d = lax.rem(p, D)
            islot = lax.rem(q, IRING)
            oslot = lax.rem(q, ORING)

            @pl.when(q + IDEPTH < ROUNDS)
            def _():
                q2 = q + IDEPTH
                u2 = q2 // SEQ
                l2 = q2 - u2 * SEQ
                f2 = (p0 + u2) // D
                pltpu.async_copy(
                    ids_hbm.at[f2, l2, :],
                    ids_v.at[pl.ds(lax.rem(q2, IRING) * BATCH, BATCH)], isem)

            @pl.when(l == 0)
            def _():
                row_wait(f, d)

            @pl.when(q >= ORING)
            def _():
                pltpu.make_async_copy(
                    out_v.at[pl.ds(0, BATCH)],
                    out_hbm.at[0, 0, 0, :], osem).wait()

            pltpu.make_async_copy(
                ids_hbm.at[f, 0, :], ids_v.at[pl.ds(0, BATCH)], isem).wait()

            bvec = bias_v[pl.ds(u * LANES, LANES)]
            ibase = islot * BATCH
            obase = oslot * BATCH

            @plsc.parallel_loop(0, B_ITERS, unroll=32)
            def _(i):
                osl = pl.ds(obase + i * LANES, LANES)
                isl = pl.ds(ibase + i * LANES, LANES)
                out_v[osl] = plsc.load_gather(row_v, [ids_v[isl]]) + bvec

            pltpu.async_copy(
                out_v.at[pl.ds(obase, BATCH)], out_hbm.at[l, f, d, :], osem)

            @pl.when((l == SEQ - 1) & (u + 1 < PAIRS_PER_W))
            def _():
                fn = (p + 1) // D
                dn = lax.rem(p + 1, D)
                row_load(fn, dn)

        for _ in range(ORING):
            pltpu.make_async_copy(
                out_v.at[pl.ds(0, BATCH)], out_hbm.at[0, 0, 0, :], osem).wait()

    return k(ids_t, tab_t, bias_flat)


def kernel(categorical_ids, tables, feature_embeddings, type_embedding):
    ids_t = jnp.transpose(categorical_ids, (2, 1, 0))
    tab_t = jnp.transpose(tables, (0, 2, 1))
    bias = feature_embeddings + type_embedding[None, :]
    bias_flat = jnp.broadcast_to(
        bias[:, :, None], (F_COUNT, D, LANES)).reshape(-1)
    out_t = _sc_tokenize(ids_t, tab_t, bias_flat)
    return jnp.transpose(out_t, (3, 0, 1, 2))

# --- scband reference (transcript-rebuilt; emitter-appended) ---
"""Pipeline reference for scband-categorical-feature-tokenizer-781684047892 (READ-ONLY COPY).

The authoritative reference and input builder live on the scoring server;
editing this copy changes nothing except your own understanding.
"""

import jax, jax.numpy as jnp
import numpy as np

F_COUNT = 26
VOCAB = 100000
TOKEN_DIM = 32
BATCH = 4096
SEQ = 20


def setup_inputs(seed: int = 0) -> dict:
    key = jax.random.key(seed)
    k1, k2, k3, k4 = jax.random.split(key, 4)
    categorical_ids = jax.random.randint(k1, (BATCH, SEQ, F_COUNT), 0, VOCAB, dtype=jnp.int32)
    # All cardinalities are equal (100000), so the per-field nn.Embedding tables
    # are materialized as one stacked tensor [F, VOCAB, D]; math is identical to
    # 26 separate embedding tables.
    tables = jax.random.normal(k2, (F_COUNT, VOCAB, TOKEN_DIM), dtype=jnp.float32)
    feature_embeddings = jax.random.normal(k3, (F_COUNT, TOKEN_DIM), dtype=jnp.float32) * 0.02
    type_embedding = jax.random.normal(k4, (TOKEN_DIM,), dtype=jnp.float32) * 0.02
    return {
        "categorical_ids": categorical_ids,
        "tables": tables,
        "feature_embeddings": feature_embeddings,
        "type_embedding": type_embedding,
    }


def reference(categorical_ids, tables, feature_embeddings, type_embedding):
    tokens = []
    for i in range(F_COUNT):
        tok = jnp.take(tables[i], categorical_ids[..., i], axis=0)  # [B, L, D]
        tok = tok + feature_embeddings[i].reshape(1, 1, TOKEN_DIM)
        tok = tok + type_embedding.reshape(1, 1, TOKEN_DIM)
        tokens.append(tok)
    return jnp.stack(tokens, axis=-2)  # [B, L, F, D]

if __name__ == "__main__":
    import jax
    _d = setup_inputs()
    print(jax.jit(kernel)(*tuple(_d.values())))

</pallas_src>

<mosaic_0001>
#map = affine_map<(d0, d1) -> (0, 0, 0)>
#map1 = affine_map<(d0, d1) -> (0)>
#map2 = affine_map<(d0, d1) -> (0, 0, 0, 0)>
module attributes {stable_mosaic.version = 14 : i64} {
  func.func @k(%arg0: i32, %arg1: i32, %arg2: memref<26x20x4096xi32, #tpu.memory_space<hbm>>, %arg3: memref<26x32x100000xf32, #tpu.memory_space<hbm>>, %arg4: memref<13312xf32, #tpu.memory_space<hbm>>, %arg5: memref<20x26x32x4096xf32, #tpu.memory_space<hbm>>, %arg6: memref<100000xf32, #tpu.memory_space<vmem>>, %arg7: memref<20480xi32, #tpu.memory_space<vmem>>, %arg8: memref<8192xf32, #tpu.memory_space<vmem>>, %arg9: memref<416xf32, #tpu.memory_space<vmem>>, %arg10: memref<!tpu.dma_semaphore, #tpu.memory_space<semaphore_mem>>, %arg11: memref<!tpu.dma_semaphore, #tpu.memory_space<semaphore_mem>>, %arg12: memref<!tpu.dma_semaphore, #tpu.memory_space<semaphore_mem>>) attributes {dimension_semantics = [#tpu.dimension_semantics<core_parallel>, #tpu.dimension_semantics<subcore_parallel>], iteration_bounds = array<i64: 2, 16>, scalar_prefetch = 0 : i64, scratch_operands = 7 : i64, tpu.core_type = #tpu.core_type<sc_vector_subcore>, window_params = [{transform_indices = #map}, {transform_indices = #map}, {transform_indices = #map1}, {transform_indices = #map2}]} {
    %mul3A = arith.constant 2 : i32
    %mul3A_0 = arith.muli %arg1, %mul3A : i32
    %add3A = arith.addi %mul3A_0, %arg0 : i32
    %mul3A_1 = arith.constant 26 : i32
    %mul3A_2 = arith.muli %add3A, %mul3A_1 : i32
    %mul3A_3 = arith.constant 16 : i32
    %mul3A_4 = arith.muli %mul3A_2, %mul3A_3 : i32
    "tpu.region"() ({
      %run_scoped3A = tpu.sem_alloc : memref<!tpu.dma_semaphore, #tpu.memory_space<semaphore_mem>>
      %dma_start3A_101 = tpu.memref_slice %arg4[%mul3A_4] : memref<13312xf32, #tpu.memory_space<hbm>> -> memref<416xf32, #tpu.memory_space<hbm>>
      %dma_start3A_102 = tpu.memref_slice %arg4[%mul3A_4] : memref<13312xf32, #tpu.memory_space<hbm>> -> memref<416xf32, #tpu.memory_space<hbm>>
      tpu.enqueue_dma source(%dma_start3A_102 : memref<416xf32, #tpu.memory_space<hbm>>) target(%arg9 : memref<416xf32, #tpu.memory_space<vmem>>) target_semaphore(%run_scoped3A : memref<!tpu.dma_semaphore, #tpu.memory_space<semaphore_mem>>)
      %dma_wait3A_103 = tpu.memref_slice %arg4[%mul3A_4] : memref<13312xf32, #tpu.memory_space<hbm>> -> memref<416xf32, #tpu.memory_space<hbm>>
      %dma_wait3A_104 = tpu.memref_slice %arg4[%mul3A_4] : memref<13312xf32, #tpu.memory_space<hbm>> -> memref<416xf32, #tpu.memory_space<hbm>>
      tpu.wait_dma2 semaphore(%run_scoped3A : memref<!tpu.dma_semaphore, #tpu.memory_space<semaphore_mem>>) src(%dma_wait3A_104 : memref<416xf32, #tpu.memory_space<hbm>>) dst(%arg9 : memref<416xf32, #tpu.memory_space<vmem>>)
      tpu.yield
    }) : () -> ()
    %jit3A = arith.constant 32 : i32
    %div3A = arith.divsi %mul3A_2, %jit3A : i32
    %sign3A = arith.constant 0 : i32
    %sign3A_5 = arith.cmpi sgt, %mul3A_2, %sign3A : i32
    %sign3A_6 = arith.extui %sign3A_5 : i1 to i32
    %sign3A_7 = arith.constant 0 : i32
    %sign3A_8 = arith.cmpi slt, %mul3A_2, %sign3A_7 : i32
    %sign3A_9 = arith.extui %sign3A_8 : i1 to i32
    %sign3A_10 = arith.subi %sign3A_6, %sign3A_9 : i32
    %sign3A_11 = arith.constant 0 : i32
    %sign3A_12 = arith.cmpi sgt, %jit3A, %sign3A_11 : i32
    %sign3A_13 = arith.extui %sign3A_12 : i1 to i32
    %sign3A_14 = arith.constant 0 : i32
    %sign3A_15 = arith.cmpi slt, %jit3A, %sign3A_14 : i32
    %sign3A_16 = arith.extui %sign3A_15 : i1 to i32
    %sign3A_17 = arith.subi %sign3A_13, %sign3A_16 : i32
    %ne3A = arith.cmpi ne, %sign3A_10, %sign3A_17 : i32
    %rem3A = arith.remsi %mul3A_2, %jit3A : i32
    %ne3A_18 = arith.constant 0 : i32
    %ne3A_19 = arith.cmpi ne, %rem3A, %ne3A_18 : i32
    %and3A = arith.andi %ne3A, %ne3A_19 : i1
    %sub3A = arith.constant 1 : i32
    %sub3A_20 = arith.subi %div3A, %sub3A : i32
    %select_n3A = arith.select %and3A, %sub3A_20, %div3A : i32
    %rem3A_21 = arith.constant 32 : i32
    %rem3A_22 = arith.remsi %mul3A_2, %rem3A_21 : i32
    %dma_start3A = arith.constant 0 : i32
    %dma_start3A_23 = tpu.memref_slice %arg3[%select_n3A, %rem3A_22, %dma_start3A] : memref<26x32x100000xf32, #tpu.memory_space<hbm>> -> memref<1x1x100000xf32, #tpu.memory_space<hbm>>
    %dma_start3A_24 = tpu.memref_squeeze %dma_start3A_23 : memref<1x1x100000xf32, #tpu.memory_space<hbm>> -> memref<100000xf32, #tpu.memory_space<hbm>>
    %dma_start3A_25 = arith.constant 0 : i32
    %dma_start3A_26 = tpu.memref_slice %arg3[%select_n3A, %rem3A_22, %dma_start3A_25] : memref<26x32x100000xf32, #tpu.memory_space<hbm>> -> memref<1x1x100000xf32, #tpu.memory_space<hbm>>
    %dma_start3A_27 = tpu.memref_squeeze %dma_start3A_26 : memref<1x1x100000xf32, #tpu.memory_space<hbm>> -> memref<100000xf32, #tpu.memory_space<hbm>>
    tpu.enqueue_dma source(%dma_start3A_27 : memref<100000xf32, #tpu.memory_space<hbm>>) target(%arg6 : memref<100000xf32, #tpu.memory_space<vmem>>) target_semaphore(%arg10 : memref<!tpu.dma_semaphore, #tpu.memory_space<semaphore_mem>>)
    %dma_start3A_28 = arith.constant 0 : i32
    %dma_start3A_29 = arith.constant 0 : i32
    %dma_start3A_30 = tpu.memref_slice %arg7[%dma_start3A_29] : memref<20480xi32, #tpu.memory_space<vmem>> -> memref<4096xi32, #tpu.memory_space<vmem>>
    %dma_start3A_31 = arith.constant 0 : i32
    %dma_start3A_32 = tpu.memref_slice %arg2[%select_n3A, %dma_start3A_28, %dma_start3A_31] : memref<26x20x4096xi32, #tpu.memory_space<hbm>> -> memref<1x1x4096xi32, #tpu.memory_space<hbm>>
    %dma_start3A_33 = tpu.memref_squeeze %dma_start3A_32 : memref<1x1x4096xi32, #tpu.memory_space<hbm>> -> memref<4096xi32, #tpu.memory_space<hbm>>
    %dma_start3A_34 = arith.constant 0 : i32
    %dma_start3A_35 = tpu.memref_slice %arg7[%dma_start3A_34] : memref<20480xi32, #tpu.memory_space<vmem>> -> memref<4096xi32, #tpu.memory_space<vmem>>
    %dma_start3A_36 = arith.constant 0 : i32
    %dma_start3A_37 = tpu.memref_slice %arg2[%select_n3A, %dma_start3A_28, %dma_start3A_36] : memref<26x20x4096xi32, #tpu.memory_space<hbm>> -> memref<1x1x4096xi32, #tpu.memory_space<hbm>>
    %dma_start3A_38 = tpu.memref_squeeze %dma_start3A_37 : memref<1x1x4096xi32, #tpu.memory_space<hbm>> -> memref<4096xi32, #tpu.memory_space<hbm>>
    tpu.enqueue_dma source(%dma_start3A_38 : memref<4096xi32, #tpu.memory_space<hbm>>) target(%dma_start3A_35 : memref<4096xi32, #tpu.memory_space<vmem>>) target_semaphore(%arg11 : memref<!tpu.dma_semaphore, #tpu.memory_space<semaphore_mem>>)
    %dma_start3A_39 = arith.constant 1 : i32
    %dma_start3A_40 = arith.constant 4096 : i32
    %dma_start3A_41 = tpu.memref_slice %arg7[%dma_start3A_40] : memref<20480xi32, #tpu.memory_space<vmem>> -> memref<4096xi32, #tpu.memory_space<vmem>>
    %dma_start3A_42 = arith.constant 0 : i32
    %dma_start3A_43 = tpu.memref_slice %arg2[%select_n3A, %dma_start3A_39, %dma_start3A_42] : memref<26x20x4096xi32, #tpu.memory_space<hbm>> -> memref<1x1x4096xi32, #tpu.memory_space<hbm>>
    %dma_start3A_44 = tpu.memref_squeeze %dma_start3A_43 : memref<1x1x4096xi32, #tpu.memory_space<hbm>> -> memref<4096xi32, #tpu.memory_space<hbm>>
    %dma_start3A_45 = arith.constant 4096 : i32
    %dma_start3A_46 = tpu.memref_slice %arg7[%dma_start3A_45] : memref<20480xi32, #tpu.memory_space<vmem>> -> memref<4096xi32, #tpu.memory_space<vmem>>
    %dma_start3A_47 = arith.constant 0 : i32
    %dma_start3A_48 = tpu.memref_slice %arg2[%select_n3A, %dma_start3A_39, %dma_start3A_47] : memref<26x20x4096xi32, #tpu.memory_space<hbm>> -> memref<1x1x4096xi32, #tpu.memory_space<hbm>>
    %dma_start3A_49 = tpu.memref_squeeze %dma_start3A_48 : memref<1x1x4096xi32, #tpu.memory_space<hbm>> -> memref<4096xi32, #tpu.memory_space<hbm>>
    tpu.enqueue_dma source(%dma_start3A_49 : memref<4096xi32, #tpu.memory_space<hbm>>) target(%dma_start3A_46 : memref<4096xi32, #tpu.memory_space<vmem>>) target_semaphore(%arg11 : memref<!tpu.dma_semaphore, #tpu.memory_space<semaphore_mem>>)
    %dma_start3A_50 = arith.constant 2 : i32
    %dma_start3A_51 = arith.constant 8192 : i32
    %dma_start3A_52 = tpu.memref_slice %arg7[%dma_start3A_51] : memref<20480xi32, #tpu.memory_space<vmem>> -> memref<4096xi32, #tpu.memory_space<vmem>>
    %dma_start3A_53 = arith.constant 0 : i32
    %dma_start3A_54 = tpu.memref_slice %arg2[%select_n3A, %dma_start3A_50, %dma_start3A_53] : memref<26x20x4096xi32, #tpu.memory_space<hbm>> -> memref<1x1x4096xi32, #tpu.memory_space<hbm>>
    %dma_start3A_55 = tpu.memref_squeeze %dma_start3A_54 : memref<1x1x4096xi32, #tpu.memory_space<hbm>> -> memref<4096xi32, #tpu.memory_space<hbm>>
    %dma_start3A_56 = arith.constant 8192 : i32
    %dma_start3A_57 = tpu.memref_slice %arg7[%dma_start3A_56] : memref<20480xi32, #tpu.memory_space<vmem>> -> memref<4096xi32, #tpu.memory_space<vmem>>
    %dma_start3A_58 = arith.constant 0 : i32
    %dma_start3A_59 = tpu.memref_slice %arg2[%select_n3A, %dma_start3A_50, %dma_start3A_58] : memref<26x20x4096xi32, #tpu.memory_space<hbm>> -> memref<1x1x4096xi32, #tpu.memory_space<hbm>>
    %dma_start3A_60 = tpu.memref_squeeze %dma_start3A_59 : memref<1x1x4096xi32, #tpu.memory_space<hbm>> -> memref<4096xi32, #tpu.memory_space<hbm>>
    tpu.enqueue_dma source(%dma_start3A_60 : memref<4096xi32, #tpu.memory_space<hbm>>) target(%dma_start3A_57 : memref<4096xi32, #tpu.memory_space<vmem>>) target_semaphore(%arg11 : memref<!tpu.dma_semaphore, #tpu.memory_space<semaphore_mem>>)
    %dma_start3A_61 = arith.constant 3 : i32
    %dma_start3A_62 = arith.constant 12288 : i32
    %dma_start3A_63 = tpu.memref_slice %arg7[%dma_start3A_62] : memref<20480xi32, #tpu.memory_space<vmem>> -> memref<4096xi32, #tpu.memory_space<vmem>>
    %dma_start3A_64 = arith.constant 0 : i32
    %dma_start3A_65 = tpu.memref_slice %arg2[%select_n3A, %dma_start3A_61, %dma_start3A_64] : memref<26x20x4096xi32, #tpu.memory_space<hbm>> -> memref<1x1x4096xi32, #tpu.memory_space<hbm>>
    %dma_start3A_66 = tpu.memref_squeeze %dma_start3A_65 : memref<1x1x4096xi32, #tpu.memory_space<hbm>> -> memref<4096xi32, #tpu.memory_space<hbm>>
    %dma_start3A_67 = arith.constant 12288 : i32
    %dma_start3A_68 = tpu.memref_slice %arg7[%dma_start3A_67] : memref<20480xi32, #tpu.memory_space<vmem>> -> memref<4096xi32, #tpu.memory_space<vmem>>
    %dma_start3A_69 = arith.constant 0 : i32
    %dma_start3A_70 = tpu.memref_slice %arg2[%select_n3A, %dma_start3A_61, %dma_start3A_69] : memref<26x20x4096xi32, #tpu.memory_space<hbm>> -> memref<1x1x4096xi32, #tpu.memory_space<hbm>>
    %dma_start3A_71 = tpu.memref_squeeze %dma_start3A_70 : memref<1x1x4096xi32, #tpu.memory_space<hbm>> -> memref<4096xi32, #tpu.memory_space<hbm>>
    tpu.enqueue_dma source(%dma_start3A_71 : memref<4096xi32, #tpu.memory_space<hbm>>) target(%dma_start3A_68 : memref<4096xi32, #tpu.memory_space<vmem>>) target_semaphore(%arg11 : memref<!tpu.dma_semaphore, #tpu.memory_space<semaphore_mem>>)
    %scan3A = arith.constant 0 : i32
    %scan3A_72 = arith.constant 520 : i32
    %scan3A_73 = arith.addi %scan3A, %scan3A_72 : i32
    %scan3A_74 = arith.constant 1 : i32
    scf.for %scan3A_101 = %scan3A to %scan3A_73 step %scan3A_74  : i32 {
      %mul3A_102 = arith.constant 1 : i32
      %mul3A_103 = arith.muli %scan3A_101, %mul3A_102 : i32
      %add3A_104 = arith.constant 0 : i32
      %add3A_105 = arith.addi %add3A_104, %mul3A_103 : i32
      %jit3A_106 = arith.constant 20 : i32
      %div3A_107 = arith.divsi %add3A_105, %jit3A_106 : i32
      %sign3A_108 = arith.constant 0 : i32
      %sign3A_109 = arith.cmpi sgt, %add3A_105, %sign3A_108 : i32
      %sign3A_110 = arith.extui %sign3A_109 : i1 to i32
      %sign3A_111 = arith.constant 0 : i32
      %sign3A_112 = arith.cmpi slt, %add3A_105, %sign3A_111 : i32
      %sign3A_113 = arith.extui %sign3A_112 : i1 to i32
      %sign3A_114 = arith.subi %sign3A_110, %sign3A_113 : i32
      %sign3A_115 = arith.constant 0 : i32
      %sign3A_116 = arith.cmpi sgt, %jit3A_106, %sign3A_115 : i32
      %sign3A_117 = arith.extui %sign3A_116 : i1 to i32
      %sign3A_118 = arith.constant 0 : i32
      %sign3A_119 = arith.cmpi slt, %jit3A_106, %sign3A_118 : i32
      %sign3A_120 = arith.extui %sign3A_119 : i1 to i32
      %sign3A_121 = arith.subi %sign3A_117, %sign3A_120 : i32
      %ne3A_122 = arith.cmpi ne, %sign3A_114, %sign3A_121 : i32
      %rem3A_123 = arith.remsi %add3A_105, %jit3A_106 : i32
      %ne3A_124 = arith.constant 0 : i32
      %ne3A_125 = arith.cmpi ne, %rem3A_123, %ne3A_124 : i32
      %and3A_126 = arith.andi %ne3A_122, %ne3A_125 : i1
      %sub3A_127 = arith.constant 1 : i32
      %sub3A_128 = arith.subi %div3A_107, %sub3A_127 : i32
      %select_n3A_129 = arith.select %and3A_126, %sub3A_128, %div3A_107 : i32
      %mul3A_130 = arith.constant 20 : i32
      %mul3A_131 = arith.muli %select_n3A_129, %mul3A_130 : i32
      %sub3A_132 = arith.subi %add3A_105, %mul3A_131 : i32
      %add3A_133 = arith.addi %mul3A_2, %select_n3A_129 : i32
      %jit3A_134 = arith.constant 32 : i32
      %div3A_135 = arith.divsi %add3A_133, %jit3A_134 : i32
      %sign3A_136 = arith.constant 0 : i32
      %sign3A_137 = arith.cmpi sgt, %add3A_133, %sign3A_136 : i32
      %sign3A_138 = arith.extui %sign3A_137 : i1 to i32
      %sign3A_139 = arith.constant 0 : i32
      %sign3A_140 = arith.cmpi slt, %add3A_133, %sign3A_139 : i32
      %sign3A_141 = arith.extui %sign3A_140 : i1 to i32
      %sign3A_142 = arith.subi %sign3A_138, %sign3A_141 : i32
      %sign3A_143 = arith.constant 0 : i32
      %sign3A_144 = arith.cmpi sgt, %jit3A_134, %sign3A_143 : i32
      %sign3A_145 = arith.extui %sign3A_144 : i1 to i32
      %sign3A_146 = arith.constant 0 : i32
      %sign3A_147 = arith.cmpi slt, %jit3A_134, %sign3A_146 : i32
      %sign3A_148 = arith.extui %sign3A_147 : i1 to i32
      %sign3A_149 = arith.subi %sign3A_145, %sign3A_148 : i32
      %ne3A_150 = arith.cmpi ne, %sign3A_142, %sign3A_149 : i32
      %rem3A_151 = arith.remsi %add3A_133, %jit3A_134 : i32
      %ne3A_152 = arith.constant 0 : i32
      %ne3A_153 = arith.cmpi ne, %rem3A_151, %ne3A_152 : i32
      %and3A_154 = arith.andi %ne3A_150, %ne3A_153 : i1
      %sub3A_155 = arith.constant 1 : i32
      %sub3A_156 = arith.subi %div3A_135, %sub3A_155 : i32
      %select_n3A_157 = arith.select %and3A_154, %sub3A_156, %div3A_135 : i32
      %rem3A_158 = arith.constant 32 : i32
      %rem3A_159 = arith.remsi %add3A_133, %rem3A_158 : i32
      %rem3A_160 = arith.constant 5 : i32
      %rem3A_161 = arith.remsi %add3A_105, %rem3A_160 : i32
      %rem3A_162 = arith.constant 2 : i32
      %rem3A_163 = arith.remsi %add3A_105, %rem3A_162 : i32
      %add3A_164 = arith.constant 4 : i32
      %add3A_165 = arith.addi %add3A_105, %add3A_164 : i32
      %lt3A = arith.constant 520 : i32
      %lt3A_166 = arith.cmpi slt, %add3A_165, %lt3A : i32
      %convert_element_type3A = arith.extui %lt3A_166 : i1 to i32
      %cond3A = arith.constant 0 : i32
      %cond3A_167 = arith.cmpi ne, %convert_element_type3A, %cond3A : i32
      scf.if %cond3A_167 {
        %add3A_214 = arith.constant 4 : i32
        %add3A_215 = arith.addi %add3A_105, %add3A_214 : i32
        %jit3A_216 = arith.constant 20 : i32
        %div3A_217 = arith.divsi %add3A_215, %jit3A_216 : i32
        %sign3A_218 = arith.constant 0 : i32
        %sign3A_219 = arith.cmpi sgt, %add3A_215, %sign3A_218 : i32
        %sign3A_220 = arith.extui %sign3A_219 : i1 to i32
        %sign3A_221 = arith.constant 0 : i32
        %sign3A_222 = arith.cmpi slt, %add3A_215, %sign3A_221 : i32
        %sign3A_223 = arith.extui %sign3A_222 : i1 to i32
        %sign3A_224 = arith.subi %sign3A_220, %sign3A_223 : i32
        %sign3A_225 = arith.constant 0 : i32
        %sign3A_226 = arith.cmpi sgt, %jit3A_216, %sign3A_225 : i32
        %sign3A_227 = arith.extui %sign3A_226 : i1 to i32
        %sign3A_228 = arith.constant 0 : i32
        %sign3A_229 = arith.cmpi slt, %jit3A_216, %sign3A_228 : i32
        %sign3A_230 = arith.extui %sign3A_229 : i1 to i32
        %sign3A_231 = arith.subi %sign3A_227, %sign3A_230 : i32
        %ne3A_232 = arith.cmpi ne, %sign3A_224, %sign3A_231 : i32
        %rem3A_233 = arith.remsi %add3A_215, %jit3A_216 : i32
        %ne3A_234 = arith.constant 0 : i32
        %ne3A_235 = arith.cmpi ne, %rem3A_233, %ne3A_234 : i32
        %and3A_236 = arith.andi %ne3A_232, %ne3A_235 : i1
        %sub3A_237 = arith.constant 1 : i32
        %sub3A_238 = arith.subi %div3A_217, %sub3A_237 : i32
        %select_n3A_239 = arith.select %and3A_236, %sub3A_238, %div3A_217 : i32
        %mul3A_240 = arith.constant 20 : i32
        %mul3A_241 = arith.muli %select_n3A_239, %mul3A_240 : i32
        %sub3A_242 = arith.subi %add3A_215, %mul3A_241 : i32
        %add3A_243 = arith.addi %mul3A_2, %select_n3A_239 : i32
        %jit3A_244 = arith.constant 32 : i32
        %div3A_245 = arith.divsi %add3A_243, %jit3A_244 : i32
        %sign3A_246 = arith.constant 0 : i32
        %sign3A_247 = arith.cmpi sgt, %add3A_243, %sign3A_246 : i32
        %sign3A_248 = arith.extui %sign3A_247 : i1 to i32
        %sign3A_249 = arith.constant 0 : i32
        %sign3A_250 = arith.cmpi slt, %add3A_243, %sign3A_249 : i32
        %sign3A_251 = arith.extui %sign3A_250 : i1 to i32
        %sign3A_252 = arith.subi %sign3A_248, %sign3A_251 : i32
        %sign3A_253 = arith.constant 0 : i32
        %sign3A_254 = arith.cmpi sgt, %jit3A_244, %sign3A_253 : i32
        %sign3A_255 = arith.extui %sign3A_254 : i1 to i32
        %sign3A_256 = arith.constant 0 : i32
        %sign3A_257 = arith.cmpi slt, %jit3A_244, %sign3A_256 : i32
        %sign3A_258 = arith.extui %sign3A_257 : i1 to i32
        %sign3A_259 = arith.subi %sign3A_255, %sign3A_258 : i32
        %ne3A_260 = arith.cmpi ne, %sign3A_252, %sign3A_259 : i32
        %rem3A_261 = arith.remsi %add3A_243, %jit3A_244 : i32
        %ne3A_262 = arith.constant 0 : i32
        %ne3A_263 = arith.cmpi ne, %rem3A_261, %ne3A_262 : i32
        %and3A_264 = arith.andi %ne3A_260, %ne3A_263 : i1
        %sub3A_265 = arith.constant 1 : i32
        %sub3A_266 = arith.subi %div3A_245, %sub3A_265 : i32
        %select_n3A_267 = arith.select %and3A_264, %sub3A_266, %div3A_245 : i32
        %rem3A_268 = arith.constant 5 : i32
        %rem3A_269 = arith.remsi %add3A_215, %rem3A_268 : i32
        %mul3A_270 = arith.constant 4096 : i32
        %mul3A_271 = arith.muli %rem3A_269, %mul3A_270 : i32
        %dma_start3A_272 = tpu.memref_slice %arg7[%mul3A_271] : memref<20480xi32, #tpu.memory_space<vmem>> -> memref<4096xi32, #tpu.memory_space<vmem>>
        %dma_start3A_273 = arith.constant 0 : i32
        %dma_start3A_274 = tpu.memref_slice %arg2[%select_n3A_267, %sub3A_242, %dma_start3A_273] : memref<26x20x4096xi32, #tpu.memory_space<hbm>> -> memref<1x1x4096xi32, #tpu.memory_space<hbm>>
        %dma_start3A_275 = tpu.memref_squeeze %dma_start3A_274 : memref<1x1x4096xi32, #tpu.memory_space<hbm>> -> memref<4096xi32, #tpu.memory_space<hbm>>
        %dma_start3A_276 = tpu.memref_slice %arg7[%mul3A_271] : memref<20480xi32, #tpu.memory_space<vmem>> -> memref<4096xi32, #tpu.memory_space<vmem>>
        %dma_start3A_277 = arith.constant 0 : i32
        %dma_start3A_278 = tpu.memref_slice %arg2[%select_n3A_267, %sub3A_242, %dma_start3A_277] : memref<26x20x4096xi32, #tpu.memory_space<hbm>> -> memref<1x1x4096xi32, #tpu.memory_space<hbm>>
        %dma_start3A_279 = tpu.memref_squeeze %dma_start3A_278 : memref<1x1x4096xi32, #tpu.memory_space<hbm>> -> memref<4096xi32, #tpu.memory_space<hbm>>
        tpu.enqueue_dma source(%dma_start3A_279 : memref<4096xi32, #tpu.memory_space<hbm>>) target(%dma_start3A_276 : memref<4096xi32, #tpu.memory_space<vmem>>) target_semaphore(%arg11 : memref<!tpu.dma_semaphore, #tpu.memory_space<semaphore_mem>>)
      } else {
      }
      %eq3A = arith.constant 0 : i32
      %eq3A_168 = arith.cmpi eq, %sub3A_132, %eq3A : i32
      %convert_element_type3A_169 = arith.extui %eq3A_168 : i1 to i32
      %cond3A_170 = arith.constant 0 : i32
      %cond3A_171 = arith.cmpi ne, %convert_element_type3A_169, %cond3A_170 : i32
      scf.if %cond3A_171 {
        %dma_wait3A_214 = arith.constant 0 : i32
        %dma_wait3A_215 = tpu.memref_slice %arg3[%select_n3A_157, %rem3A_159, %dma_wait3A_214] : memref<26x32x100000xf32, #tpu.memory_space<hbm>> -> memref<1x1x100000xf32, #tpu.memory_space<hbm>>
        %dma_wait3A_216 = tpu.memref_squeeze %dma_wait3A_215 : memref<1x1x100000xf32, #tpu.memory_space<hbm>> -> memref<100000xf32, #tpu.memory_space<hbm>>
        %dma_wait3A_217 = arith.constant 0 : i32
        %dma_wait3A_218 = tpu.memref_slice %arg3[%select_n3A_157, %rem3A_159, %dma_wait3A_217] : memref<26x32x100000xf32, #tpu.memory_space<hbm>> -> memref<1x1x100000xf32, #tpu.memory_space<hbm>>
        %dma_wait3A_219 = tpu.memref_squeeze %dma_wait3A_218 : memref<1x1x100000xf32, #tpu.memory_space<hbm>> -> memref<100000xf32, #tpu.memory_space<hbm>>
        tpu.wait_dma2 semaphore(%arg10 : memref<!tpu.dma_semaphore, #tpu.memory_space<semaphore_mem>>) src(%dma_wait3A_219 : memref<100000xf32, #tpu.memory_space<hbm>>) dst(%arg6 : memref<100000xf32, #tpu.memory_space<vmem>>)
      } else {
      }
      %ge3A = arith.constant 2 : i32
      %ge3A_172 = arith.cmpi sge, %add3A_105, %ge3A : i32
      %convert_element_type3A_173 = arith.extui %ge3A_172 : i1 to i32
      %cond3A_174 = arith.constant 0 : i32
      %cond3A_175 = arith.cmpi ne, %convert_element_type3A_173, %cond3A_174 : i32
      scf.if %cond3A_175 {
        %dma_wait3A_214 = arith.constant 0 : i32
        %dma_wait3A_215 = arith.constant 0 : i32
        %dma_wait3A_216 = arith.constant 0 : i32
        %dma_wait3A_217 = arith.constant 0 : i32
        %dma_wait3A_218 = tpu.memref_slice %arg8[%dma_wait3A_217] : memref<8192xf32, #tpu.memory_space<vmem>> -> memref<4096xf32, #tpu.memory_space<vmem>>
        %dma_wait3A_219 = arith.constant 0 : i32
        %dma_wait3A_220 = tpu.memref_slice %arg5[%dma_wait3A_214, %dma_wait3A_215, %dma_wait3A_216, %dma_wait3A_219] : memref<20x26x32x4096xf32, #tpu.memory_space<hbm>> -> memref<1x1x1x4096xf32, #tpu.memory_space<hbm>>
        %dma_wait3A_221 = tpu.memref_squeeze %dma_wait3A_220 : memref<1x1x1x4096xf32, #tpu.memory_space<hbm>> -> memref<4096xf32, #tpu.memory_space<hbm>>
        %dma_wait3A_222 = arith.constant 0 : i32
        %dma_wait3A_223 = tpu.memref_slice %arg5[%dma_wait3A_214, %dma_wait3A_215, %dma_wait3A_216, %dma_wait3A_222] : memref<20x26x32x4096xf32, #tpu.memory_space<hbm>> -> memref<1x1x1x4096xf32, #tpu.memory_space<hbm>>
        %dma_wait3A_224 = tpu.memref_squeeze %dma_wait3A_223 : memref<1x1x1x4096xf32, #tpu.memory_space<hbm>> -> memref<4096xf32, #tpu.memory_space<hbm>>
        %dma_wait3A_225 = arith.constant 0 : i32
        %dma_wait3A_226 = tpu.memref_slice %arg8[%dma_wait3A_225] : memref<8192xf32, #tpu.memory_space<vmem>> -> memref<4096xf32, #tpu.memory_space<vmem>>
        tpu.wait_dma2 semaphore(%arg12 : memref<!tpu.dma_semaphore, #tpu.memory_space<semaphore_mem>>) src(%dma_wait3A_226 : memref<4096xf32, #tpu.memory_space<vmem>>) dst(%dma_wait3A_224 : memref<4096xf32, #tpu.memory_space<hbm>>)
      } else {
      }
      %dma_wait3A_176 = arith.constant 0 : i32
      %dma_wait3A_177 = arith.constant 0 : i32
      %dma_wait3A_178 = tpu.memref_slice %arg7[%dma_wait3A_177] : memref<20480xi32, #tpu.memory_space<vmem>> -> memref<4096xi32, #tpu.memory_space<vmem>>
      %dma_wait3A_179 = arith.constant 0 : i32
      %dma_wait3A_180 = tpu.memref_slice %arg2[%select_n3A_157, %dma_wait3A_176, %dma_wait3A_179] : memref<26x20x4096xi32, #tpu.memory_space<hbm>> -> memref<1x1x4096xi32, #tpu.memory_space<hbm>>
      %dma_wait3A_181 = tpu.memref_squeeze %dma_wait3A_180 : memref<1x1x4096xi32, #tpu.memory_space<hbm>> -> memref<4096xi32, #tpu.memory_space<hbm>>
      %dma_wait3A_182 = arith.constant 0 : i32
      %dma_wait3A_183 = tpu.memref_slice %arg7[%dma_wait3A_182] : memref<20480xi32, #tpu.memory_space<vmem>> -> memref<4096xi32, #tpu.memory_space<vmem>>
      %dma_wait3A_184 = arith.constant 0 : i32
      %dma_wait3A_185 = tpu.memref_slice %arg2[%select_n3A_157, %dma_wait3A_176, %dma_wait3A_184] : memref<26x20x4096xi32, #tpu.memory_space<hbm>> -> memref<1x1x4096xi32, #tpu.memory_space<hbm>>
      %dma_wait3A_186 = tpu.memref_squeeze %dma_wait3A_185 : memref<1x1x4096xi32, #tpu.memory_space<hbm>> -> memref<4096xi32, #tpu.memory_space<hbm>>
      tpu.wait_dma2 semaphore(%arg11 : memref<!tpu.dma_semaphore, #tpu.memory_space<semaphore_mem>>) src(%dma_wait3A_186 : memref<4096xi32, #tpu.memory_space<hbm>>) dst(%dma_wait3A_183 : memref<4096xi32, #tpu.memory_space<vmem>>)
      %mul3A_187 = arith.constant 16 : i32
      %mul3A_188 = arith.muli %select_n3A_129, %mul3A_187 : i32
      %get3A = arith.index_cast %mul3A_188 : i32 to index
      %get3A_189 = tpu.vector_load %arg9[%get3A] {strides = array<i32>} : memref<416xf32, #tpu.memory_space<vmem>>, vector<16xf32>,
      %mul3A_190 = arith.constant 4096 : i32
      %mul3A_191 = arith.muli %rem3A_161, %mul3A_190 : i32
      %mul3A_192 = arith.constant 4096 : i32
      %mul3A_193 = arith.muli %rem3A_163, %mul3A_192 : i32
      %parallel_loop3A = arith.constant 0 : i32
      %parallel_loop3A_194 = arith.constant 256 : i32
      %parallel_loop3A_195 = arith.constant 1 : i32
      scf.for %parallel_loop3A_214 = %parallel_loop3A to %parallel_loop3A_194 step %parallel_loop3A_195  : i32 {
        %parallel_loop3A_215 = arith.constant 16 : i32
        %parallel_loop3A_216 = arith.muli %parallel_loop3A_214, %parallel_loop3A_215 : i32
        %parallel_loop3A_217 = arith.addi %mul3A_193, %parallel_loop3A_216 : i32
        %parallel_loop3A_218 = arith.constant 16 : i32
        %parallel_loop3A_219 = arith.muli %parallel_loop3A_214, %parallel_loop3A_218 : i32
        %parallel_loop3A_220 = arith.addi %mul3A_191, %parallel_loop3A_219 : i32
        %parallel_loop3A_221 = arith.index_cast %parallel_loop3A_220 : i32 to index
        %parallel_loop3A_222 = tpu.vector_load %arg7[%parallel_loop3A_221] {strides = array<i32>} : memref<20480xi32, #tpu.memory_space<vmem>>, vector<16xi32>,
        %parallel_loop3A_223 = tpu.vector_load_idx %arg6[%parallel_loop3A_222] : memref<100000xf32, #tpu.memory_space<vmem>>[vector<16xi32>], vector<16xf32>,
        %parallel_loop3A_224 = arith.addf %parallel_loop3A_223, %get3A_189 : vector<16xf32>
        %parallel_loop3A_225 = arith.index_cast %parallel_loop3A_217 : i32 to index
        %parallel_loop3A_226 = tpu.vector_load %arg8[%parallel_loop3A_225] {strides = array<i32>} : memref<8192xf32, #tpu.memory_space<vmem>>, vector<16xf32>,
        tpu.vector_store %arg8[%parallel_loop3A_225], %parallel_loop3A_224 {strides = array<i32>} : memref<8192xf32, #tpu.memory_space<vmem>>, vector<16xf32>,
      } {sc.loop_unroll_factor = 32 : i64, sc.parallel_access}
      %dma_start3A_196 = tpu.memref_slice %arg8[%mul3A_193] : memref<8192xf32, #tpu.memory_space<vmem>> -> memref<4096xf32, #tpu.memory_space<vmem>>
      %dma_start3A_197 = arith.constant 0 : i32
      %dma_start3A_198 = tpu.memref_slice %arg5[%sub3A_132, %select_n3A_157, %rem3A_159, %dma_start3A_197] : memref<20x26x32x4096xf32, #tpu.memory_space<hbm>> -> memref<1x1x1x4096xf32, #tpu.memory_space<hbm>>
      %dma_start3A_199 = tpu.memref_squeeze %dma_start3A_198 : memref<1x1x1x4096xf32, #tpu.memory_space<hbm>> -> memref<4096xf32, #tpu.memory_space<hbm>>
      %dma_start3A_200 = arith.constant 0 : i32
      %dma_start3A_201 = tpu.memref_slice %arg5[%sub3A_132, %select_n3A_157, %rem3A_159, %dma_start3A_200] : memref<20x26x32x4096xf32, #tpu.memory_space<hbm>> -> memref<1x1x1x4096xf32, #tpu.memory_space<hbm>>
      %dma_start3A_202 = tpu.memref_squeeze %dma_start3A_201 : memref<1x1x1x4096xf32, #tpu.memory_space<hbm>> -> memref<4096xf32, #tpu.memory_space<hbm>>
      %dma_start3A_203 = tpu.memref_slice %arg8[%mul3A_193] : memref<8192xf32, #tpu.memory_space<vmem>> -> memref<4096xf32, #tpu.memory_space<vmem>>
      tpu.enqueue_dma source(%dma_start3A_203 : memref<4096xf32, #tpu.memory_space<vmem>>) target(%dma_start3A_202 : memref<4096xf32, #tpu.memory_space<hbm>>) target_semaphore(%arg12 : memref<!tpu.dma_semaphore, #tpu.memory_space<semaphore_mem>>)
      %eq3A_204 = arith.constant 19 : i32
      %eq3A_205 = arith.cmpi eq, %sub3A_132, %eq3A_204 : i32
      %add3A_206 = arith.constant 1 : i32
      %add3A_207 = arith.addi %select_n3A_129, %add3A_206 : i32
      %lt3A_208 = arith.constant 26 : i32
      %lt3A_209 = arith.cmpi slt, %add3A_207, %lt3A_208 : i32
      %and3A_210 = arith.andi %eq3A_205, %lt3A_209 : i1
      %convert_element_type3A_211 = arith.extui %and3A_210 : i1 to i32
      %cond3A_212 = arith.constant 0 : i32
      %cond3A_213 = arith.cmpi ne, %convert_element_type3A_211, %cond3A_212 : i32
      scf.if %cond3A_213 {
        %add3A_214 = arith.constant 1 : i32
        %add3A_215 = arith.addi %add3A_133, %add3A_214 : i32
        %jit3A_216 = arith.constant 32 : i32
        %div3A_217 = arith.divsi %add3A_215, %jit3A_216 : i32
        %sign3A_218 = arith.constant 0 : i32
        %sign3A_219 = arith.cmpi sgt, %add3A_215, %sign3A_218 : i32
        %sign3A_220 = arith.extui %sign3A_219 : i1 to i32
        %sign3A_221 = arith.constant 0 : i32
        %sign3A_222 = arith.cmpi slt, %add3A_215, %sign3A_221 : i32
        %sign3A_223 = arith.extui %sign3A_222 : i1 to i32
        %sign3A_224 = arith.subi %sign3A_220, %sign3A_223 : i32
        %sign3A_225 = arith.constant 0 : i32
        %sign3A_226 = arith.cmpi sgt, %jit3A_216, %sign3A_225 : i32
        %sign3A_227 = arith.extui %sign3A_226 : i1 to i32
        %sign3A_228 = arith.constant 0 : i32
        %sign3A_229 = arith.cmpi slt, %jit3A_216, %sign3A_228 : i32
        %sign3A_230 = arith.extui %sign3A_229 : i1 to i32
        %sign3A_231 = arith.subi %sign3A_227, %sign3A_230 : i32
        %ne3A_232 = arith.cmpi ne, %sign3A_224, %sign3A_231 : i32
        %rem3A_233 = arith.remsi %add3A_215, %jit3A_216 : i32
        %ne3A_234 = arith.constant 0 : i32
        %ne3A_235 = arith.cmpi ne, %rem3A_233, %ne3A_234 : i32
        %and3A_236 = arith.andi %ne3A_232, %ne3A_235 : i1
        %sub3A_237 = arith.constant 1 : i32
        %sub3A_238 = arith.subi %div3A_217, %sub3A_237 : i32
        %select_n3A_239 = arith.select %and3A_236, %sub3A_238, %div3A_217 : i32
        %add3A_240 = arith.constant 1 : i32
        %add3A_241 = arith.addi %add3A_133, %add3A_240 : i32
        %rem3A_242 = arith.constant 32 : i32
        %rem3A_243 = arith.remsi %add3A_241, %rem3A_242 : i32
        %dma_start3A_244 = arith.constant 0 : i32
        %dma_start3A_245 = tpu.memref_slice %arg3[%select_n3A_239, %rem3A_243, %dma_start3A_244] : memref<26x32x100000xf32, #tpu.memory_space<hbm>> -> memref<1x1x100000xf32, #tpu.memory_space<hbm>>
        %dma_start3A_246 = tpu.memref_squeeze %dma_start3A_245 : memref<1x1x100000xf32, #tpu.memory_space<hbm>> -> memref<100000xf32, #tpu.memory_space<hbm>>
        %dma_start3A_247 = arith.constant 0 : i32
        %dma_start3A_248 = tpu.memref_slice %arg3[%select_n3A_239, %rem3A_243, %dma_start3A_247] : memref<26x32x100000xf32, #tpu.memory_space<hbm>> -> memref<1x1x100000xf32, #tpu.memory_space<hbm>>
        %dma_start3A_249 = tpu.memref_squeeze %dma_start3A_248 : memref<1x1x100000xf32, #tpu.memory_space<hbm>> -> memref<100000xf32, #tpu.memory_space<hbm>>
        tpu.enqueue_dma source(%dma_start3A_249 : memref<100000xf32, #tpu.memory_space<hbm>>) target(%arg6 : memref<100000xf32, #tpu.memory_space<vmem>>) target_semaphore(%arg10 : memref<!tpu.dma_semaphore, #tpu.memory_space<semaphore_mem>>)
      } else {
      }
    }
    %scan3A_75 = arith.constant 520 : i32
    %dma_wait3A = arith.constant 0 : i32
    %dma_wait3A_76 = arith.constant 0 : i32
    %dma_wait3A_77 = arith.constant 0 : i32
    %dma_wait3A_78 = arith.constant 0 : i32
    %dma_wait3A_79 = tpu.memref_slice %arg8[%dma_wait3A_78] : memref<8192xf32, #tpu.memory_space<vmem>> -> memref<4096xf32, #tpu.memory_space<vmem>>
    %dma_wait3A_80 = arith.constant 0 : i32
    %dma_wait3A_81 = tpu.memref_slice %arg5[%dma_wait3A, %dma_wait3A_76, %dma_wait3A_77, %dma_wait3A_80] : memref<20x26x32x4096xf32, #tpu.memory_space<hbm>> -> memref<1x1x1x4096xf32, #tpu.memory_space<hbm>>
    %dma_wait3A_82 = tpu.memref_squeeze %dma_wait3A_81 : memref<1x1x1x4096xf32, #tpu.memory_space<hbm>> -> memref<4096xf32, #tpu.memory_space<hbm>>
    %dma_wait3A_83 = arith.constant 0 : i32
    %dma_wait3A_84 = tpu.memref_slice %arg5[%dma_wait3A, %dma_wait3A_76, %dma_wait3A_77, %dma_wait3A_83] : memref<20x26x32x4096xf32, #tpu.memory_space<hbm>> -> memref<1x1x1x4096xf32, #tpu.memory_space<hbm>>
    %dma_wait3A_85 = tpu.memref_squeeze %dma_wait3A_84 : memref<1x1x1x4096xf32, #tpu.memory_space<hbm>> -> memref<4096xf32, #tpu.memory_space<hbm>>
    %dma_wait3A_86 = arith.constant 0 : i32
    %dma_wait3A_87 = tpu.memref_slice %arg8[%dma_wait3A_86] : memref<8192xf32, #tpu.memory_space<vmem>> -> memref<4096xf32, #tpu.memory_space<vmem>>
    tpu.wait_dma2 semaphore(%arg12 : memref<!tpu.dma_semaphore, #tpu.memory_space<semaphore_mem>>) src(%dma_wait3A_87 : memref<4096xf32, #tpu.memory_space<vmem>>) dst(%dma_wait3A_85 : memref<4096xf32, #tpu.memory_space<hbm>>)
    %dma_wait3A_88 = arith.constant 0 : i32
    %dma_wait3A_89 = arith.constant 0 : i32
    %dma_wait3A_90 = arith.constant 0 : i32
    %dma_wait3A_91 = arith.constant 0 : i32
    %dma_wait3A_92 = tpu.memref_slice %arg8[%dma_wait3A_91] : memref<8192xf32, #tpu.memory_space<vmem>> -> memref<4096xf32, #tpu.memory_space<vmem>>
    %dma_wait3A_93 = arith.constant 0 : i32
    %dma_wait3A_94 = tpu.memref_slice %arg5[%dma_wait3A_88, %dma_wait3A_89, %dma_wait3A_90, %dma_wait3A_93] : memref<20x26x32x4096xf32, #tpu.memory_space<hbm>> -> memref<1x1x1x4096xf32, #tpu.memory_space<hbm>>
    %dma_wait3A_95 = tpu.memref_squeeze %dma_wait3A_94 : memref<1x1x1x4096xf32, #tpu.memory_space<hbm>> -> memref<4096xf32, #tpu.memory_space<hbm>>
    %dma_wait3A_96 = arith.constant 0 : i32
    %dma_wait3A_97 = tpu.memref_slice %arg5[%dma_wait3A_88, %dma_wait3A_89, %dma_wait3A_90, %dma_wait3A_96] : memref<20x26x32x4096xf32, #tpu.memory_space<hbm>> -> memref<1x1x1x4096xf32, #tpu.memory_space<hbm>>
    %dma_wait3A_98 = tpu.memref_squeeze %dma_wait3A_97 : memref<1x1x1x4096xf32, #tpu.memory_space<hbm>> -> memref<4096xf32, #tpu.memory_space<hbm>>
    %dma_wait3A_99 = arith.constant 0 : i32
    %dma_wait3A_100 = tpu.memref_slice %arg8[%dma_wait3A_99] : memref<8192xf32, #tpu.memory_space<vmem>> -> memref<4096xf32, #tpu.memory_space<vmem>>
    tpu.wait_dma2 semaphore(%arg12 : memref<!tpu.dma_semaphore, #tpu.memory_space<semaphore_mem>>) src(%dma_wait3A_100 : memref<4096xf32, #tpu.memory_space<vmem>>) dst(%dma_wait3A_98 : memref<4096xf32, #tpu.memory_space<hbm>>)
    return
  }
}

</mosaic_0001>

<sc_bundles>
// kernel: kernel.3.cloned.1.call-start
scs
__scs_entry_jumppad:
0x0: {  	(pc) =	sbr.rel $0x88, $3  }
0x1: {  	(tag) =	ssettag $0x0;
	lr =	simm.s32 $0x1  }
0x2: {  	[smem:$0x3F9D] =	sst lr;
	_ =	strace $0xD0000000  }
0x3: {  	_ = 	snop  }
0x4: {  	_ = 	snop  }
0x5: {  	_ = 	snop  }
0x6: {  	_ = 	snop  }
0x7: {  	_ = 	snop  }
__scs_overlays_trampoline_lowered:
0x8: {  	[smem:$0x3FAC] =	sst s0  }
0x9: {  	[smem:$0x3FAD] =	sst s1  }
0xa: {  	[smem:$0x3FAE] =	sst s2  }
0xb: {  	[smem:$0x3FAF] =	sst s3  }
0xc: {  	[smem:$0x3FB0] =	sst s4  }
0xd: {  	[smem:$0x3FB1] =	sst s5  }
0xe: {  	[smem:$0x3FB2] =	sst s6  }
0xf: {  	[smem:$0x3FB3] =	sst s7  }
0x10: {  	[smem:$0x3FB4] =	sst s8  }
0x11: {  	[smem:$0x3FB5] =	sst s9;
	s0 =	simm.s32 @!p0 $0x0  }
0x12: {  	s1 =	sld [smem:$0x3F9B];
	s0 =	simm.s32 @p0 $0x1  }
0x13: {  	[smem:$0x3FB6] =	sst s0;
	s0 =	simm.s32 @!p1 $0x0  }
0x14: {  	s2 =	sld [smem:$0x3F9A];
	s0 =	simm.s32 @p1 $0x1  }
0x15: {  	[smem:$0x3FB7] =	sst s0;
	s0 =	simm.s32 @!p2 $0x0  }
0x16: {  	s3 =	sld [smem:$0x3FDB];
	s0 =	simm.s32 @p2 $0x1  }
0x17: {  	s4 =	simm.s32 $0x1BF5;
	[smem:$0x3FB9] =	sst s0  }
0x18: {  	s0 =	sld [smem:$0x3F9C];
	_ =	swait.ge [sflag:s4], $0x0  }
0x19: {  	s7 =	sld [smem:$0x3F9D]  }
0x1a: {  	s8 =	sadd.s32 $0xFFFFE003, lr  }
0x1b: {  	s9 =	sadd.s32 $0xFFFFFEF7, lr;
	s5 =	simm.s32 $0xFFFFFFFF;
	p2 =	slt.u32 s8, $0xFFFFF086  }
0x1c: {  	p1 =	slt.u32 s9, $0xF7A;
	s5 =	simm.s32 @!p2 $0x0  }
0x1d: {  	s5 =	simm.s32 @p1 $0x1;
	p0 =	seq.s32 s7, s2  }
0x1e: {  	s7 =	smul.u32 @!p0 $0xF7A, s2;
	p2 =	seq.s32 @!p0 s5, $0x0  }
0x1f: {  	s9 =	smul.u32 $0xF7A, s1;
	s8 =	simm.s32 @!p0 $0x1BF5;
	p2 =	por !p2, p0  }
0x20: {  	[sflag:s8] =	ssyncset.s32 @!p0 $0xFFFFF086;
	s6 =	sadd.s32 @!p0 s3, s7;
	s7 =	simm.s32 @!p0 $0x108  }
0x21: {  	s3 =	sadd.s32 s3, s9;
	s6 =	sadd.s32 @!p0 $0x88, s6;
	s7 =	simm.s32 @p2 $0x1082  }
0x22: {  	[simem:s7], [sflag:s8] =	dma.local @!p0 [hbm:s6], $0xF7A  }
0x23: {  	s9 =	sor.u32 $0xD0000000, s2;
	s6 =	simm.s32 $0x108;
	_ =	swait.ge @!p0 [sflag:s8], $0x0  }
0x24: {  	s3 =	sadd.s32 $0x88, s3;
	s6 =	simm.s32 @!p1 $0x1082;
	[sflag:s4] =	ssyncset.s32 $0xFFFFF086  }
0x25: {  	[simem:s6], [sflag:s4] =	dma.local [hbm:s3], $0xF7A  }
0x26: {  	[smem:$0x3F9D] =	sst s1;
	(tag) =	ssettag s2;
	_ =	strace s9  }
0x27: {  	s1 =	sld [smem:$0x3FAD]  }
0x28: {  	s2 =	sld [smem:$0x3FAE]  }
0x29: {  	s4 =	sld [smem:$0x3FB0]  }
0x2a: {  	p0 =	seq.s32 s5, $0x0;
	s5 =	sld [smem:$0x3FB1]  }
0x2b: {  	s6 =	sld [smem:$0x3FB2]  }
0x2c: {  	s7 =	sld [smem:$0x3FB3]  }
0x2d: {  	s3 =	simm.s32 $0x108;
	s8 =	sld [smem:$0x3FB4]  }
0x2e: {  	s3 =	simm.s32 @!p0 $0x1082;
	s9 =	sld [smem:$0x3FB5]  }
0x2f: {  	lr =	sadd.s32 s0, s3;
	s0 =	sld [smem:$0x3FAC]  }
0x30: {  	s3 =	sld [smem:$0x3FAF]  }
0x31: {  	[smem:$0x3FB8] =	sst s10  }
0x32: {  	s10 =	sld [smem:$0x3FB6];
	_ =	sdelay $0x3  }
0x33: {  	p0 =	seq.s32 s10, $0x1;
	s10 =	sld [smem:$0x3FB8];
	_ =	sdelay $0x3  }
0x34: {  	[smem:$0x3FB8] =	sst s10  }
0x35: {  	s10 =	sld [smem:$0x3FB7];
	_ =	sdelay $0x3  }
0x36: {  	p1 =	seq.s32 s10, $0x1;
	s10 =	sld [smem:$0x3FB8];
	_ =	sdelay $0x3  }
0x37: {  	[smem:$0x3FB8] =	sst s10  }
0x38: {  	s10 =	sld [smem:$0x3FB9]  }
0x39: {  	_ = 	snop;
	(pc) =	sbr.ind lr, $3  }
0x3a: {  	_ = 	snop  }
0x3b: {  	_ = 	snop  }
0x3c: {  	p2 =	seq.s32 s10, $0x1;
	s10 =	sld [smem:$0x3FB8]  }
0x3d: {  	_ =	shalt  }
0x3e: {  	_ =	shalt  }
0x3f: {  	_ =	shalt  }
0x40: {  	_ =	shalt  }
0x41: {  	_ =	shalt  }
0x42: {  	_ =	shalt  }
0x43: {  	_ =	shalt  }
0x44: {  	_ =	shalt  }
0x45: {  	_ =	shalt  }
0x46: {  	_ =	shalt  }
0x47: {  	_ =	shalt  }
0x48: {  	_ =	shalt  }
0x49: {  	_ =	shalt  }
0x4a: {  	_ =	shalt  }
0x4b: {  	_ =	shalt  }
0x4c: {  	_ =	shalt  }
0x4d: {  	_ =	shalt  }
0x4e: {  	_ =	shalt  }
0x4f: {  	_ =	shalt  }
0x50: {  	_ =	shalt  }
0x51: {  	_ =	shalt  }
0x52: {  	_ =	shalt  }
0x53: {  	_ =	shalt  }
0x54: {  	_ =	shalt  }
0x55: {  	_ =	shalt  }
0x56: {  	_ =	shalt  }
0x57: {  	_ =	shalt  }
0x58: {  	_ =	shalt  }
0x59: {  	_ =	shalt  }
0x5a: {  	_ =	shalt  }
0x5b: {  	_ =	shalt  }
0x5c: {  	_ =	shalt  }
0x5d: {  	_ =	shalt  }
0x5e: {  	_ =	shalt  }
0x5f: {  	_ =	shalt  }
0x60: {  	_ =	shalt  }
0x61: {  	_ =	shalt  }
0x62: {  	_ =	shalt  }
0x63: {  	_ =	shalt  }
0x64: {  	_ =	shalt  }
0x65: {  	_ =	shalt  }
0x66: {  	_ =	shalt  }
0x67: {  	_ =	shalt  }
0x68: {  	_ =	shalt  }
0x69: {  	_ =	shalt  }
0x6a: {  	_ =	shalt  }
0x6b: {  	_ =	shalt  }
0x6c: {  	_ =	shalt  }
0x6d: {  	_ =	shalt  }
0x6e: {  	_ =	shalt  }
0x6f: {  	_ =	shalt  }
0x70: {  	_ =	shalt  }
0x71: {  	_ =	shalt  }
0x72: {  	_ =	shalt  }
0x73: {  	_ =	shalt  }
0x74: {  	_ =	shalt  }
0x75: {  	_ =	shalt  }
0x76: {  	_ =	shalt  }
0x77: {  	_ =	shalt  }
0x78: {  	_ =	shalt  }
0x79: {  	_ =	shalt  }
0x7a: {  	_ =	shalt  }
0x7b: {  	_ =	shalt  }
0x7c: {  	_ =	shalt  }
0x7d: {  	_ =	shalt  }
0x7e: {  	_ =	shalt  }
0x7f: {  	_ =	shalt  }
0x80: {  	_ =	shalt  }
0x81: {  	_ =	shalt  }
0x82: {  	_ =	shalt  }
0x83: {  	_ =	shalt  }
0x84: {  	_ =	shalt  }
0x85: {  	_ =	shalt  }
0x86: {  	_ =	shalt  }
0x87: {  	_ =	shalt  }
.Lfunc_end0:
.L_simem_size_0:
called_computation_lowered:
.L_overlay_start_0:
0x88: {  	s2 =	sld [smem:$0x3FD9]  }
0x89: {  	s3 =	sld [smem:$0x3FFE];
	_ =	sdelay $0x1  }
0x8a: {  	s1 =	srdreg.scid  }
0x8b: {  	s0 =	sand.u32 $0x1, s1  }
0x8c: {  	s17 =	sshll.u32 s0, $0xA;
	s2 =	sadd.s32 s3, s2  }
0x8d: {  	s2 =	sadd.s32 s2, s17  }
0x8e: {  	[smem:$0x3FC4] =	sst s2  }
0x8f: {  	_ = 	snop  }
0x90: {  	s2 =	sld [smem:$0x3FC9]  }
0x91: {  	s18 =	sld [smem:$0x3FC8]  }
0x92: {  	s4 =	sld [smem:$0x3FD0];
	(tm) =	ssettm $0x1  }
0x93: {  	s5 =	sld [smem:$0x3FFB];
	_ =	sdelay $0x3  }
0x94: {  	_ =	strace s5  }
0x95: {  	s5 =	sld [smem:$0x3FFC];
	_ =	sdelay $0x3  }
0x96: {  	_ =	strace s5  }
0x97: {  	s5 =	sld [smem:$0x3FFD];
	_ =	sdelay $0x3  }
0x98: {  	_ =	strace s5  }
0x99: {  	_ =	strace $0x8FFFFFFF  }
0x9a: {  	s19 =	sld [smem:$0x3FDB];
	_ =	sdelay $0x1  }
0x9b: {  	s6 =	simm.s32 $_scs_section_size  }
0x9c: {  	s7 =	simm.s32 $_size__tile_overlayer_lowered;
	s8 =	simm.s32 $_tile_overlayer_lowered  }
0x9d: {  	s22 =	simm.s32 $0x1BFF;
	s21 =	sshll.u32 s8, $0x1;
	s5 =	sadd.s32 s6, s19  }
0x9e: {  	s9 =	simm.s32 $0x0;
	s20 =	sshll.u32 s7, $0x1;
	s7 =	sadd.s32 s21, s5  }
0x9f: {  	[timem:s9], [sflag:s22] =	dma.local [hbm:s7], s20  }
0xa0: {  	_ =	swait.ge [sflag:s22], s20  }
0xa1: {  	s6 =	ssub.s32 $0x0, s20;
	[sflag:s22] =	ssyncset.done $0x0  }
0xa2: {  	[sflag:s22] =	ssyncadd.s32 s6;
	_ =	sdelay $0x1  }
0xa3: {  	s23 =	simm.s32 $0x1B8B  }
0xa4: {  	_ =	swait.ge [sflag:s23], $0x1  }
0xa5: {  	[sflag:s23] =	ssyncset.done $0x0  }
0xa6: {  	s25 =	simm.s32 $0x1B8E;
	s24 =	sld [smem:$0x3FFE];
	[sflag:s23] =	ssyncadd.s32 $0xFFFFFFFF  }
0xa7: {  	s26 =	simm.s32 $execute0_lowered;
	[smem:$0x3FD2] =	sst s25  }
0xa8: {  	s7 =	sshll.u32 s26, $0x1;
	_ =	strace $0x80000046;
	[dreg:$0x1] =	wrdreg $0xFFFFFFFF  }
0xa9: {  	s28 =	simm.s32 $_size_execute0_lowered;
	s5 =	sadd.s32 s5, s7;
	[dreg:$0x0] =	wrdreg $0x0  }
0xaa: {  	s7 =	sshll.u32 s28, $0x1;
	[dreg:$0x2] =	wrdreg s5  }
0xab: {  	[dreg:$0x3] =	wrdreg s7  }
0xac: {  	[dreg:$0x4] =	wrdreg $0xC0  }
0xad: {  	_ =	task [dreg:s9], $0x5FFFF  }
0xae: {  	[dreg:$0x1] =	wrdreg $0xFFFFFFFF  }
0xaf: {  	[dreg:$0x0] =	wrdreg $0x60  }
0xb0: {  	[dreg:$0x2] =	wrdreg s2  }
0xb1: {  	[dreg:$0x3] =	wrdreg s18  }
0xb2: {  	[dreg:$0x4] =	wrdreg s24  }
0xb3: {  	[dreg:$0x5] =	wrdreg s4  }
0xb4: {  	[dreg:$0x6] =	wrdreg $0x9  }
0xb5: {  	_ =	task.clear_ibuf [dreg:s9], $0x7FFFF;
	_ =	strace $0x90000046  }
0xb6: {  	s29 =	simm.s32 $0x9;
	_ =	strace $0x80000048  }
0xb7: {  	_ =	swait.ge [sflag:s29], $0x1  }
0xb8: {  	[sflag:s29] =	ssyncadd.s32 $0xFFFFFFFF  }
0xb9: {  	_ =	strace $0x90000048  }
0xba: {  	_ =	sfence  }
0xbb: {  	s30 =	sld [smem:$0x0];
	_ =	sdelay $0x2  }
0xbc: {  	s31 =	sshll.u32 s1, $0xD;
	s1 =	sshrl.u32 s1, $0x2  }
0xbd: {  	s3 =	sand.u32 $0x4000, s31;
	s1 =	sadd.s32 s1, s30  }
0xbe: {  	s0 =	sor.u32 s3, s0;
	s1 =	sshll.u32 s1, $0x11  }
0xbf: {  	s0 =	sor.u32 s1, s0  }
0xc0: {  	s0 =	sadd.s32 $0x8F2B, s0  }
0xc1: {  	[sflag:s0] =	ssyncadd.remote.s32 $0x1  }
0xc2: {  	_ =	sfence.sel $0xFFFF  }
0xc3: {  	[dreg:$0x0] =	wrdreg $0xFFFFFFFF;
	(pc) =	sbr.abs _section_cstart, $3  }
0xc4: {  	[dreg:$0x1] =	wrdreg $0xFFFFFFFF  }
0xc5: {  	_ =	task.clear_ibuf [dreg:s9], $0x2FFFF;
	_ =	strace $0x9FFFFFFF  }
0xc6: {  	(tm) =	ssettm $0x7FFFFFFF  }
0xc7: {  	_ =	shalt  }
tec
execute0_lowered:
.L_overlay_start_1:
0x0: {  	(tag) =	ssettag $0x1  }
0x1: {  	s1 =	rddreg [dreg:$0x0]  }
0x2: {  	s0 =	srdreg.scid;
	s3 =	rddreg [dreg:$0x1]  }
0x3: {  	s2 =	stileid.u32;
	s7 =	rddreg [dreg:$0x2]  }
0x4: {  	s5 =	rddreg [dreg:$0x3];
	s0 =	sand.u32 $0x1, s0;
	s2 =	sshll.u32 s2, $0x1  }
0x5: {  	s6 =	simm.s32 $0x0;
	s15 =	simm.s32 $0x4;
	s2 =	sor.u32 s0, s2  }
0x6: {  	s16 =	simm.s32 $0x80;
	s17 =	simm.s32 $0x400;
	s4 =	smul.u32 $0x1A, s2  }
0x7: {  	s20 =	simm.s32 $0x1A700;
	s21 =	simm.s32 $0x1B700;
	s22 =	simm.s32 $0x2  }
0x8: {  	s23 =	simm.s32 $0x3;
	s8 =	sshrl.u32 s4, $0x5;
	s9 =	sand.u32 $0x18, s4  }
0x9: {  	[smem:$0x7FF] =	sst s6;
	s10 =	smul.u32 $0x30E000, s8;
	s9 =	sshrl.u32 s9, $0x3  }
0xa: {  	s24 =	simm.s32 $0x0;
	_ =	strace $0x80000047;
	s9 =	smul.u32 $0xC3800, s9  }
0xb: {  	s0 =	ssub.s32 $0x2, s0;
	s2 =	smul.u32 $0x34, s2;
	s11 =	sshll.u32 s4, $0x7  }
0xc: {  	s29 =	sshrl.u32 s0, $0x1;
	s28 =	sand.u32 $0x300, s11;
	s9 =	sadd.s32 s10, s9  }
0xd: {  	s0 =	ssub.s32 s0, s29;
	s30 =	smul.u32 $0x3000, s8;
	s9 =	sor.u32 s28, s9  }
0xe: {  	s2 =	sadd.s32 s2, s7;
	s13 =	smax.u32 s0, $0x1;
	s31 =	sshrl.u32 s9, $0x3  }
0xf: {  	s7 =	sadd.s32 $0x400, s2;
	s9 =	sadd.s32 s1, s30;
	s8 =	sadd.s32 s3, s31  }
0x10: {  	s10 =	sadd.s32 $0x10, s9;
	s11 =	sadd.s32 $0x20, s9;
	s12 =	sadd.s32 $0x30, s9  }
.LBB2_1:
0x11: {  	s0 =	simm.s32 $0x1F700  }
0x12: {  	[tilespmem:s0], [sflag:$0x4] =	stream.linear.gather [hbm4b:s7+s6], $0x1A0, $0x38;
	[tilespmem:$0x1F900] =	vst v63  }
0x13: {  	_ =	swait.ge [sflag:s15], $0x1A0  }
0x14: {  	[sflag:s15] =	ssyncset.done $0x0  }
0x15: {  	[sflag:s15] =	ssyncadd.s32 $0xFFFFFE60  }
0x16: {  	[tilespmem:s6], [sflag:$0x1] =	stream.strided.gather [hbm4b:s8+s16], $0x18700, s17, s16, $0x38;
	[tilespmem:$0x1F900] =	vst v63  }
0x17: {  	s30 =	simm.s32 $0x18700  }
0x18: {  	[tilespmem:s30], [sflag:$0x2] =	stream.strided.gather [hbm4b:s9+s16], $0x1000, s17, s16, $0x38;
	[tilespmem:$0x1F900] =	vst v63  }
0x19: {  	s31 =	simm.s32 $0x19700  }
0x1a: {  	[tilespmem:s31], [sflag:$0x2] =	stream.strided.gather [hbm4b:s10+s16], $0x1000, s17, s16, $0x38;
	[tilespmem:$0x1F900] =	vst v63  }
0x1b: {  	p0 =	por $0x0, $0x0  }
0x1c: {  	[tilespmem:s20], [sflag:$0x2] =	stream.strided.gather [hbm4b:s11+s16], $0x1000, s17, s16, $0x38;
	[tilespmem:$0x1F900] =	vst v63  }
0x1d: {  	s25 =	simm.s32 $0x0;
	s26 =	simm.s32 $0x0;
	s28 =	simm.s32 $0x0  }
0x1e: {  	[tilespmem:s21], [sflag:$0x2] =	stream.strided.gather [hbm4b:s12+s16], $0x1000, s17, s16, $0x38;
	[tilespmem:$0x1F900] =	vst v63  }
.LBB2_2:
0x1f: {  	p1 =	sgt.u32 s28, $0x203  }
0x20: {  	s2 =	sadd.s32 @!p1 $0x4, s28  }
0x21: {  	s14 =	smul.u32 @!p1 $0xCCCD, s2  }
0x22: {  	s0 =	smul.u32 $0xCCCD, s28  }
0x23: {  	s18 =	sshrl.u32 @!p1 s14, $0x14  }
0x24: {  	s0 =	sshrl.u32 s0, $0x14;
	s29 =	smul.u32 @!p1 $0xFFFFFFEC, s18  }
0x25: {  	s30 =	smul.u32 $0xFFFFFFEC, s0;
	s14 =	sshrl.u32 @!p1 s14, $0x12;
	s18 =	sadd.s32 @!p1 s18, s4  }
0x26: {  	s14 =	smul.u32 @!p1 $0x5, s14;
	s18 =	sshrl.u32 @!p1 s18, $0x5;
	s29 =	sadd.s32 @!p1 s2, s29  }
0x27: {  	s18 =	smul.u32 @!p1 $0x18000, s18;
	s31 =	sshll.u32 @!p1 s29, $0xC  }
0x28: {  	s2 =	ssub.s32 @!p1 s2, s14;
	s29 =	sshll.u32 @!p1 s29, $0x7;
	s31 =	sand.u32 @!p1 $0xFFFF8000, s31  }
0x29: {  	s2 =	sand.u32 @!p1 $0xFFE7, s2;
	s14 =	sadd.s32 @!p1 s18, s31;
	s18 =	sand.u32 @!p1 $0x380, s29  }
0x2a: {  	s2 =	sshll.u32 @!p1 s2, $0xC;
	s14 =	sor.u32 @!p1 s18, s14  }
0x2b: {  	s29 =	sadd.s32 s28, s30;
	s2 =	sor.u32 @!p1 $0x18700, s2;
	s14 =	sshrl.u32 @!p1 s14, $0x3  }
0x2c: {  	s30 =	simm.s32 @!p1 $0x400;
	s18 =	simm.s32 @!p1 $0x80;
	s14 =	sadd.s32 @!p1 s1, s14  }
0x2d: {  	[tilespmem:s2], [sflag:$0x2] =	stream.strided.gather @!p1 [hbm4b:s14+s18], $0x1000, s30, s18, $0x38;
	[tilespmem:$0x1F900] =	vst v63  }
0x2e: {  	p1 =	sne.s32 s29, $0x0  }
0x2f: {  	s2 =	simm.s32 @!p1 $0x1  }
0x30: {  	_ =	swait.ge @!p1 [sflag:s2], $0x18700  }
0x31: {  	s19 =	sand.u32 $0xFFFF, s25;
	p2 =	slt.u32 s28, $0x2;
	[sflag:s2] =	ssyncset.done @!p1 $0x0  }
0x32: {  	s18 =	smul.u32 $0xCCCD, s19;
	s14 =	simm.s32 @!p2 $0x3;
	[sflag:s2] =	ssyncadd.s32 @!p1 $0xFFFE7900  }
0x33: {  	_ =	swait.ge @!p2 [sflag:s14], $0x1000  }
0x34: {  	s2 =	sshrl.u32 s18, $0x12;
	[sflag:s14] =	ssyncset.done @!p2 $0x0  }
0x35: {  	s2 =	smul.u32 $0x5000, s2;
	[sflag:s14] =	ssyncadd.s32 @!p2 $0xFFFFF000  }
0x36: {  	_ =	swait.ge [sflag:s22], $0x1000  }
0x37: {  	s2 =	ssub.s32 s26, s2;
	[sflag:s22] =	ssyncset.done $0x0  }
0x38: {  	s19 =	sshll.u32 s0, $0x4;
	s2 =	sand.u32 $0xFFFF, s2;
	[sflag:s22] =	ssyncadd.s32 $0xFFFFF000  }
0x39: {  	s18 =	sadd.s32 $0x18800, s2;
	v0 =	vld [tilespmem:s19+$0x1F700]  }
0x3a: {  	v1 =	vld [tilespmem:s18+$0xF0]  }
0x3b: {  	v2 =	vld [tilespmem:s18+$0xFFFFFF10]  }
0x3c: {  	v3 =	vld [tilespmem:s18+$0xFFFFFF20]  }
0x3d: {  	v4 =	vld [tilespmem:s18+$0xFFFFFF30]  }
0x3e: {  	v5 =	vld [tilespmem:s18+$0xFFFFFF40]  }
0x3f: {  	v6 =	vld [tilespmem:s18+$0xFFFFFF50]  }
0x40: {  	v7 =	vld [tilespmem:s18+$0xFFFFFF60]  }
0x41: {  	v8 =	vld [tilespmem:s18+$0xFFFFFF70]  }
0x42: {  	v9 =	vld [tilespmem:s18+$0xFFFFFF80]  }
0x43: {  	v10 =	vld [tilespmem:s18+$0xFFFFFF90]  }
0x44: {  	v11 =	vld [tilespmem:s18+$0xFFFFFFA0]  }
0x45: {  	v12 =	vld [tilespmem:s18+$0xFFFFFFB0]  }
0x46: {  	v13 =	vld [tilespmem:s18+$0xFFFFFFC0]  }
0x47: {  	v14 =	vld [tilespmem:s18+$0xFFFFFFD0]  }
0x48: {  	v15 =	vld [tilespmem:s18+$0xFFFFFFE0]  }
0x49: {  	v16 =	vld [tilespmem:s18+$0xFFFFFFF0]  }
0x4a: {  	v17 =	vld [tilespmem:s18+$0x0]  }
0x4b: {  	v18 =	vld [tilespmem:s18+$0x10]  }
0x4c: {  	v19 =	vld [tilespmem:s18+$0x20]  }
0x4d: {  	v20 =	vld [tilespmem:s18+$0x30]  }
0x4e: {  	v21 =	vld [tilespmem:s18+$0x40]  }
0x4f: {  	v22 =	vld [tilespmem:s18+$0x50]  }
0x50: {  	v23 =	vld [tilespmem:s18+$0x60]  }
0x51: {  	v24 =	vld [tilespmem:s18+$0x70]  }
0x52: {  	v25 =	vld [tilespmem:s18+$0x80]  }
0x53: {  	v26 =	vld [tilespmem:s18+$0x90]  }
0x54: {  	v27 =	vld [tilespmem:s18+$0xA0]  }
0x55: {  	v28 =	vld [tilespmem:s18+$0xB0]  }
0x56: {  	v29 =	vld [tilespmem:s18+$0xC0]  }
0x57: {  	v30 =	vld [tilespmem:s18+$0xD0]  }
0x58: {  	v31 =	vld [tilespmem:s18+$0xE0]  }
0x59: {  	v32 =	vld [tilespmem:s18+$0xFFFFFF00]  }
0x5a: {  	v1 =	vld.idx.msk [tilespmem:v1+s6+$0x0], $0xffff  }
0x5b: {  	v2 =	vld.idx.msk [tilespmem:v2+s6+$0x0], $0xffff  }
0x5c: {  	v3 =	vld.idx.msk [tilespmem:v3+s6+$0x0], $0xffff  }
0x5d: {  	v4 =	vld.idx.msk [tilespmem:v4+s6+$0x0], $0xffff  }
0x5e: {  	s2 =	simm.s32 $0x1;
	v5 =	vld.idx.msk [tilespmem:v5+s6+$0x0], $0xffff  }
0x5f: {  	s2 =	simm.s32 @!p0 $0x0;
	v6 =	vld.idx.msk [tilespmem:v6+s6+$0x0], $0xffff  }
0x60: {  	s2 =	sshll.u32 s2, $0xC;
	v7 =	vld.idx.msk [tilespmem:v7+s6+$0x0], $0xffff;
	v1 =	vadd.f32 v1, v0  }
0x61: {  	s30 =	sadd.s32 $0x1D800, s2;
	v8 =	vld.idx.msk [tilespmem:v8+s6+$0x0], $0xffff;
	v2 =	vadd.f32 v2, v0  }
0x62: {  	v3 =	vadd.f32 v3, v0;
	[tilespmem:s30+$0xF0] =	vst v1;
	v1 =	vld.idx.msk [tilespmem:v32+s6+$0x0], $0xffff  }
0x63: {  	[tilespmem:s30+$0xFFFFFF10] =	vst v2;
	v2 =	vadd.f32 v4, v0;
	v4 =	vld.idx.msk [tilespmem:v9+s6+$0x0], $0xffff  }
0x64: {  	[tilespmem:s30+$0xFFFFFF20] =	vst v3;
	v3 =	vadd.f32 v5, v0;
	v5 =	vld.idx.msk [tilespmem:v10+s6+$0x0], $0xffff  }
0x65: {  	v9 =	vld.idx.msk [tilespmem:v21+s6+$0x0], $0xffff;
	[tilespmem:s30+$0xFFFFFF30] =	vst v2;
	v2 =	vadd.f32 v6, v0  }
0x66: {  	v6 =	vld.idx.msk [tilespmem:v11+s6+$0x0], $0xffff;
	[tilespmem:s30+$0xFFFFFF40] =	vst v3;
	v3 =	vadd.f32 v7, v0  }
0x67: {  	v7 =	vld.idx.msk [tilespmem:v12+s6+$0x0], $0xffff;
	[tilespmem:s30+$0xFFFFFF50] =	vst v2;
	v2 =	vadd.f32 v8, v0  }
0x68: {  	v8 =	vld.idx.msk [tilespmem:v13+s6+$0x0], $0xffff;
	[tilespmem:s30+$0xFFFFFF60] =	vst v3;
	v1 =	vadd.f32 v1, v0  }
0x69: {  	v3 =	vld.idx.msk [tilespmem:v14+s6+$0x0], $0xffff;
	[tilespmem:s30+$0xFFFFFF70] =	vst v2;
	v2 =	vadd.f32 v4, v0  }
0x6a: {  	v4 =	vld.idx.msk [tilespmem:v15+s6+$0x0], $0xffff;
	[tilespmem:s30+$0xFFFFFF00] =	vst v1;
	v1 =	vadd.f32 v5, v0  }
0x6b: {  	v5 =	vld.idx.msk [tilespmem:v16+s6+$0x0], $0xffff;
	[tilespmem:s30+$0xFFFFFF80] =	vst v2;
	v2 =	vadd.f32 v6, v0  }
0x6c: {  	v6 =	vld.idx.msk [tilespmem:v17+s6+$0x0], $0xffff;
	[tilespmem:s30+$0xFFFFFF90] =	vst v1;
	v1 =	vadd.f32 v7, v0  }
0x6d: {  	v7 =	vld.idx.msk [tilespmem:v18+s6+$0x0], $0xffff;
	[tilespmem:s30+$0xFFFFFFA0] =	vst v2;
	v2 =	vadd.f32 v8, v0  }
0x6e: {  	v8 =	vld.idx.msk [tilespmem:v19+s6+$0x0], $0xffff;
	[tilespmem:s30+$0xFFFFFFB0] =	vst v1;
	v1 =	vadd.f32 v3, v0  }
0x6f: {  	v3 =	vld.idx.msk [tilespmem:v20+s6+$0x0], $0xffff;
	[tilespmem:s30+$0xFFFFFFC0] =	vst v2;
	v2 =	vadd.f32 v4, v0  }
0x70: {  	v10 =	vld.idx.msk [tilespmem:v22+s6+$0x0], $0xffff;
	[tilespmem:s30+$0xFFFFFFD0] =	vst v1;
	v1 =	vadd.f32 v5, v0  }
0x71: {  	v11 =	vld.idx.msk [tilespmem:v25+s6+$0x0], $0xffff;
	[tilespmem:s30+$0xFFFFFFE0] =	vst v2;
	v2 =	vadd.f32 v6, v0  }
0x72: {  	v6 =	vld.idx.msk [tilespmem:v23+s6+$0x0], $0xffff;
	[tilespmem:s30+$0xFFFFFFF0] =	vst v1;
	v1 =	vadd.f32 v7, v0  }
0x73: {  	v7 =	vld.idx.msk [tilespmem:v24+s6+$0x0], $0xffff;
	[tilespmem:s30+$0x0] =	vst v2;
	v2 =	vadd.f32 v8, v0  }
0x74: {  	v4 =	vld.idx.msk [tilespmem:v26+s6+$0x0], $0xffff;
	[tilespmem:s30+$0x10] =	vst v1;
	v1 =	vadd.f32 v3, v0  }
0x75: {  	v5 =	vld.idx.msk [tilespmem:v27+s6+$0x0], $0xffff;
	v3 =	vadd.f32 v9, v0;
	[tilespmem:s30+$0x20] =	vst v2  }
0x76: {  	v2 =	vld.idx.msk [tilespmem:v28+s6+$0x0], $0xffff;
	[tilespmem:s30+$0x30] =	vst v1;
	v1 =	vadd.f32 v10, v0  }
0x77: {  	s31 =	sadd.s32 s0, s4;
	s19 =	sshll.u32 s28, $0xC;
	[tilespmem:s30+$0x40] =	vst v3;
	v6 =	vadd.f32 v6, v0;
	v3 =	vld.idx.msk [tilespmem:v29+s6+$0x0], $0xffff  }
0x78: {  	s0 =	sand.u32 $0x1F, s31;
	s2 =	sand.u32 $0x1000, s19;
	v8 =	vadd.f32 v7, v0;
	[tilespmem:s30+$0x50] =	vst v1;
	v1 =	vld.idx.msk [tilespmem:v30+s6+$0x0], $0xffff  }
0x79: {  	s14 =	simm.s32 $0x0;
	s18 =	sadd.s32 $0x200, s18;
	s2 =	sadd.s32 $0x1D700, s2;
	v7 =	vadd.f32 v11, v0;
	[tilespmem:s30+$0x60] =	vst v6;
	v6 =	vld.idx.msk [tilespmem:v31+s6+$0x0], $0xffff  }
.LBB2_3:
0x7a: {  	v9 =	vld [tilespmem:s18+$0xF0];
	s14 =	sadd.s32 $0x20, s14;
	[tilespmem:s30+$0x70] =	vst v8;
	v4 =	vadd.f32 v4, v0  }
0x7b: {  	v5 =	vadd.f32 v5, v0;
	v8 =	vld [tilespmem:s18+$0xFFFFFF10];
	p1 =	slt.u32 s14, $0xE0;
	[tilespmem:s30+$0x80] =	vst v7  }
0x7c: {  	v2 =	vadd.f32 v2, v0;
	v7 =	vld [tilespmem:s18+$0xFFFFFF20];
	[tilespmem:s30+$0x90] =	vst v4  }
0x7d: {  	v3 =	vadd.f32 v3, v0;
	v4 =	vld [tilespmem:s18+$0xFFFFFF30];
	[tilespmem:s30+$0xA0] =	vst v5  }
0x7e: {  	v1 =	vadd.f32 v1, v0;
	v5 =	vld [tilespmem:s18+$0xFFFFFF40];
	[tilespmem:s30+$0xB0] =	vst v2  }
0x7f: {  	v2 =	vld [tilespmem:s18+$0xFFFFFF50];
	[tilespmem:s30+$0xC0] =	vst v3;
	v3 =	vadd.f32 v6, v0  }
0x80: {  	v6 =	vld [tilespmem:s18+$0xFFFFFF60];
	[tilespmem:s30+$0xD0] =	vst v1  }
0x81: {  	v1 =	vld [tilespmem:s18+$0xFFFFFF70];
	[tilespmem:s30+$0xE0] =	vst v3  }
0x82: {  	v3 =	vld.idx.msk [tilespmem:v9+s6+$0x0], $0xffff  }
0x83: {  	v9 =	vld [tilespmem:s18+$0xFFFFFF80]  }
0x84: {  	v10 =	vld [tilespmem:s18+$0xFFFFFF90]  }
0x85: {  	v11 =	vld [tilespmem:s18+$0xFFFFFFA0]  }
0x86: {  	v12 =	vld [tilespmem:s18+$0xFFFFFFB0]  }
0x87: {  	v13 =	vld [tilespmem:s18+$0xFFFFFFC0]  }
0x88: {  	v3 =	vadd.f32 v3, v0;
	v14 =	vld [tilespmem:s18+$0xFFFFFFD0]  }
0x89: {  	s30 =	sadd.s32 $0x200, s30;
	v15 =	vld [tilespmem:s18+$0xFFFFFFE0]  }
0x8a: {  	v16 =	vld [tilespmem:s18+$0xFFFFFFF0];
	[tilespmem:s30+$0xF0] =	vst v3  }
0x8b: {  	v3 =	vld [tilespmem:s18+$0x0]  }
0x8c: {  	v17 =	vld [tilespmem:s18+$0x10]  }
0x8d: {  	v18 =	vld [tilespmem:s18+$0x20]  }
0x8e: {  	v19 =	vld [tilespmem:s18+$0x30]  }
0x8f: {  	v20 =	vld [tilespmem:s18+$0x40]  }
0x90: {  	v21 =	vld [tilespmem:s18+$0x50]  }
0x91: {  	v22 =	vld [tilespmem:s18+$0x60]  }
0x92: {  	v23 =	vld [tilespmem:s18+$0x70]  }
0x93: {  	v24 =	vld [tilespmem:s18+$0x80]  }
0x94: {  	v25 =	vld [tilespmem:s18+$0x90]  }
0x95: {  	v26 =	vld [tilespmem:s18+$0xA0]  }
0x96: {  	v27 =	vld [tilespmem:s18+$0xB0]  }
0x97: {  	v28 =	vld [tilespmem:s18+$0xC0]  }
0x98: {  	v29 =	vld [tilespmem:s18+$0xD0]  }
0x99: {  	v30 =	vld [tilespmem:s18+$0xE0]  }
0x9a: {  	v31 =	vld [tilespmem:s18+$0xFFFFFF00]  }
0x9b: {  	v8 =	vld.idx.msk [tilespmem:v8+s6+$0x0], $0xffff  }
0x9c: {  	v7 =	vld.idx.msk [tilespmem:v7+s6+$0x0], $0xffff  }
0x9d: {  	v4 =	vld.idx.msk [tilespmem:v4+s6+$0x0], $0xffff  }
0x9e: {  	v5 =	vld.idx.msk [tilespmem:v5+s6+$0x0], $0xffff  }
0x9f: {  	v2 =	vld.idx.msk [tilespmem:v2+s6+$0x0], $0xffff  }
0xa0: {  	v6 =	vld.idx.msk [tilespmem:v6+s6+$0x0], $0xffff  }
0xa1: {  	v8 =	vadd.f32 v8, v0;
	v1 =	vld.idx.msk [tilespmem:v1+s6+$0x0], $0xffff  }
0xa2: {  	v7 =	vadd.f32 v7, v0;
	v31 =	vld.idx.msk [tilespmem:v31+s6+$0x0], $0xffff  }
0xa3: {  	v4 =	vadd.f32 v4, v0;
	[tilespmem:s30+$0xFFFFFF10] =	vst v8;
	v8 =	vld.idx.msk [tilespmem:v9+s6+$0x0], $0xffff  }
0xa4: {  	v5 =	vadd.f32 v5, v0;
	[tilespmem:s30+$0xFFFFFF20] =	vst v7;
	v7 =	vld.idx.msk [tilespmem:v10+s6+$0x0], $0xffff  }
0xa5: {  	v2 =	vadd.f32 v2, v0;
	[tilespmem:s30+$0xFFFFFF30] =	vst v4;
	v4 =	vld.idx.msk [tilespmem:v11+s6+$0x0], $0xffff  }
0xa6: {  	[tilespmem:s30+$0xFFFFFF40] =	vst v5;
	v5 =	vadd.f32 v6, v0;
	v6 =	vld.idx.msk [tilespmem:v12+s6+$0x0], $0xffff  }
0xa7: {  	v1 =	vadd.f32 v1, v0;
	[tilespmem:s30+$0xFFFFFF50] =	vst v2;
	v2 =	vld.idx.msk [tilespmem:v13+s6+$0x0], $0xffff  }
0xa8: {  	v9 =	vadd.f32 v31, v0;
	[tilespmem:s30+$0xFFFFFF60] =	vst v5;
	v5 =	vld.idx.msk [tilespmem:v14+s6+$0x0], $0xffff  }
0xa9: {  	[tilespmem:s30+$0xFFFFFF70] =	vst v1;
	v1 =	vadd.f32 v8, v0;
	v8 =	vld.idx.msk [tilespmem:v15+s6+$0x0], $0xffff  }
0xaa: {  	v7 =	vadd.f32 v7, v0;
	[tilespmem:s30+$0xFFFFFF00] =	vst v9;
	v9 =	vld.idx.msk [tilespmem:v16+s6+$0x0], $0xffff  }
0xab: {  	[tilespmem:s30+$0xFFFFFF80] =	vst v1;
	v1 =	vadd.f32 v4, v0;
	v3 =	vld.idx.msk [tilespmem:v3+s6+$0x0], $0xffff  }
0xac: {  	v4 =	vadd.f32 v6, v0;
	[tilespmem:s30+$0xFFFFFF90] =	vst v7;
	v6 =	vld.idx.msk [tilespmem:v17+s6+$0x0], $0xffff  }
0xad: {  	[tilespmem:s30+$0xFFFFFFA0] =	vst v1;
	v1 =	vadd.f32 v2, v0;
	v2 =	vld.idx.msk [tilespmem:v18+s6+$0x0], $0xffff  }
0xae: {  	[tilespmem:s30+$0xFFFFFFB0] =	vst v4;
	v4 =	vadd.f32 v5, v0;
	v5 =	vld.idx.msk [tilespmem:v19+s6+$0x0], $0xffff  }
0xaf: {  	[tilespmem:s30+$0xFFFFFFC0] =	vst v1;
	v1 =	vadd.f32 v8, v0;
	v7 =	vld.idx.msk [tilespmem:v20+s6+$0x0], $0xffff  }
0xb0: {  	[tilespmem:s30+$0xFFFFFFD0] =	vst v4;
	v4 =	vadd.f32 v9, v0;
	v8 =	vld.idx.msk [tilespmem:v21+s6+$0x0], $0xffff  }
0xb1: {  	[tilespmem:s30+$0xFFFFFFE0] =	vst v1;
	v1 =	vadd.f32 v3, v0;
	v3 =	vld.idx.msk [tilespmem:v22+s6+$0x0], $0xffff  }
0xb2: {  	[tilespmem:s30+$0xFFFFFFF0] =	vst v4;
	v4 =	vadd.f32 v6, v0;
	v6 =	vld.idx.msk [tilespmem:v23+s6+$0x0], $0xffff  }
0xb3: {  	[tilespmem:s30+$0x0] =	vst v1;
	v1 =	vadd.f32 v2, v0;
	v9 =	vld.idx.msk [tilespmem:v24+s6+$0x0], $0xffff  }
0xb4: {  	v2 =	vadd.f32 v5, v0;
	[tilespmem:s30+$0x10] =	vst v4;
	v4 =	vld.idx.msk [tilespmem:v25+s6+$0x0], $0xffff  }
.Ltmp0:
0xb5: {  	[tilespmem:s30+$0x20] =	vst v1;
	v1 =	vadd.f32 v7, v0;
	v5 =	vld.idx.msk [tilespmem:v26+s6+$0x0], $0xffff;
	(pc) =	sbr.rel @p1 .LBB2_3-.Ltmp0, $4  }
0xb6: {  	v7 =	vadd.f32 v8, v0;
	[tilespmem:s30+$0x30] =	vst v2;
	v2 =	vld.idx.msk [tilespmem:v27+s6+$0x0], $0xffff  }
0xb7: {  	v10 =	vadd.f32 v3, v0;
	[tilespmem:s30+$0x40] =	vst v1;
	v3 =	vld.idx.msk [tilespmem:v28+s6+$0x0], $0xffff  }
0xb8: {  	v8 =	vadd.f32 v6, v0;
	[tilespmem:s30+$0x50] =	vst v7;
	v1 =	vld.idx.msk [tilespmem:v29+s6+$0x0], $0xffff  }
0xb9: {  	s18 =	sadd.s32 $0x200, s18;
	v7 =	vadd.f32 v9, v0;
	[tilespmem:s30+$0x60] =	vst v10;
	v6 =	vld.idx.msk [tilespmem:v30+s6+$0x0], $0xffff  }
0xba: {  	[tilespmem:s30+$0x70] =	vst v8;
	v4 =	vadd.f32 v4, v0  }
0xbb: {  	v5 =	vadd.f32 v5, v0;
	s14 =	smul.u32 $0x340000, s29;
	s18 =	sshll.u32 s31, $0xC;
	[tilespmem:s30+$0x80] =	vst v7  }
0xbc: {  	s19 =	sshll.u32 s0, $0xC;
	v2 =	vadd.f32 v2, v0;
	s18 =	sand.u32 $0x1FE0000, s18;
	[tilespmem:s30+$0x90] =	vst v4  }
0xbd: {  	s14 =	sadd.s32 s18, s14;
	[tilespmem:s30+$0xA0] =	vst v5;
	v3 =	vadd.f32 v3, v0;
	s18 =	sand.u32 $0x18000, s19;
	s19 =	sshll.u32 s0, $0x7  }
0xbe: {  	s14 =	sor.u32 s18, s14;
	[tilespmem:s30+$0xB0] =	vst v2;
	v1 =	vadd.f32 v1, v0;
	s0 =	sand.u32 $0x380, s19  }
0xbf: {  	p1 =	sgt.u32 s28, $0x1F3;
	[tilespmem:s30+$0xC0] =	vst v3;
	v63 =	vadd.f32 v6, v0;
	s0 =	sor.u32 s0, s14  }
0xc0: {  	p2 =	sne.s32 @!p1 s29, $0x13;
	[tilespmem:s30+$0xD0] =	vst v1;
	s0 =	sshrl.u32 s0, $0x3  }
0xc1: {  	p1 =	por p2, p1;
	[tilespmem:s30+$0xE0] =	vst v63;
	s0 =	sadd.s32 s5, s0  }
0xc2: {  	[hbm4b:s0+s16] =	stream.strided.scatter [tilespmem:s2], [sflag:$0x3], $0x1000, s17, s16, $0x38;
	[tilespmem:$0x1F900] =	vst v63  }
0xc3: {  	s0 =	sadd.s32 @!p1 $0x1, s31  }
0xc4: {  	s2 =	sshrl.u32 @!p1 s0, $0x5;
	s14 =	sand.u32 @!p1 $0x18, s0  }
0xc5: {  	s2 =	smul.u32 @!p1 $0x30E000, s2;
	s14 =	sshrl.u32 @!p1 s14, $0x3  }
0xc6: {  	s14 =	smul.u32 @!p1 $0xC3800, s14  }
0xc7: {  	s0 =	sshll.u32 @!p1 s0, $0x7  }
0xc8: {  	s0 =	sand.u32 @!p1 $0x380, s0;
	s2 =	sadd.s32 @!p1 s2, s14  }
0xc9: {  	s0 =	sor.u32 @!p1 s0, s2  }
0xca: {  	s28 =	sadd.s32 $0x1, s28;
	s18 =	simm.s32 @!p1 $0x0;
	s0 =	sshrl.u32 @!p1 s0, $0x3  }
0xcb: {  	s14 =	simm.s32 @!p1 $0x400;
	s2 =	simm.s32 @!p1 $0x80;
	s0 =	sadd.s32 @!p1 s3, s0  }
0xcc: {  	[tilespmem:s18], [sflag:$0x1] =	stream.strided.gather @!p1 [hbm4b:s0+s2], $0x18700, s14, s2, $0x38;
	[tilespmem:$0x1F900] =	vst v63  }
0xcd: {  	p1 =	sne.s32 s28, $0x208  }
.Ltmp1:
0xce: {  	_ = 	snop;
	(pc) =	sbr.rel @p1 .LBB2_2-.Ltmp1, $2  }
0xcf: {  	_ =	sdelay $0x2  }
0xd0: {  	p0 =	por !p0, !p0;
	s26 =	sadd.s32 $0x1000, s26;
	s25 =	sadd.s32 $0x1, s25  }
0xd1: {  	s24 =	sadd.s32 $0x1, s24  }
0xd2: {  	_ =	swait.ge [sflag:s23], $0x1000;
	p0 =	sne.s32 s24, s13  }
.Ltmp2:
0xd3: {  	[sflag:s23] =	ssyncset.done $0x0;
	(pc) =	sbr.rel @p0 .LBB2_1-.Ltmp2, $4  }
0xd4: {  	[sflag:s23] =	ssyncadd.s32 $0xFFFFF000  }
0xd5: {  	_ =	swait.ge [sflag:s23], $0x1000  }
0xd6: {  	[sflag:s23] =	ssyncset.done $0x0  }
0xd7: {  	[sflag:s23] =	ssyncadd.s32 $0xFFFFF000  }
0xd8: {  	_ =	sfence.sel $0x180000  }
0xd9: {  	[bflag:$0x0] =	sbarrier.arrive $0xFFFF  }
0xda: {  	_ =	strace $0x90000047  }
0xdb: {  	s0 =	stileid.u32;
	[bflag:$0x2] =	sbarrier.arrive $0xFFFF  }
0xdc: {  	p0 =	sne.s32 s0, $0x0;
	s0 =	rddreg [dreg:$0x4]  }
0xdd: {  	s0 =	sadd.s32 @!p0 $0x100000, s0  }
0xde: {  	[sflag:s0] =	ssyncadd.tile.s32 @!p0 $0x1;
	_ =	shalt  }
.Lfunc_end2:
_tile_overlayer_lowered:
.L_overlay_start_2:
0xdf: {  	(tag) =	ssettag $0x2  }
0xe0: {  	s0 =	rddreg [dreg:$0x0];
	s2 =	stileid.u32  }
0xe1: {  	s1 =	rddreg [dreg:$0x1];
	p0 =	sne.s32 s2, $0x0  }
0xe2: {  	s3 =	rddreg [dreg:$0x2];
	[bflag:$0x3] =	sbarrier.arrive $0xFFFF;
	s2 =	simm.s32 @!p0 $0x1C04  }
0xe3: {  	[timem:s3], [sflag:s2] =	dma.local @!p0 [hbm:s0], s1  }
0xe4: {  	s0 =	simm.s32 @!p0 $0x4  }
0xe5: {  	_ =	swait.ge @!p0 [sflag:s0], s1  }
0xe6: {  	s1 =	ssub.s32 @!p0 $0x0, s1;
	[sflag:s0] =	ssyncset.done @!p0 $0x0  }
0xe7: {  	[sflag:s0] =	ssyncadd.s32 @!p0 s1  }
0xe8: {  	[bflag:$0x3] =	sbarrier.arrive $0xFFFF  }
0xe9: {  	_ =	shalt  }

</sc_bundles>
